<compile_context>
chip_gen: v7x
topology: tpu7x:2x2x1
jax: 0.10.2.dev20260603
libtpu: 0.0.44.dev20260713+nightly
codegen_flags: <defaults>
</compile_context>

<pallas_src>
import functools

import jax
import jax.numpy as jnp
from jax import lax
from jax.experimental import pallas as pl
from jax.experimental.pallas import tpu as pltpu
from jax.experimental.pallas import tpu_sc as plsc

_C = 17
_H = 128
_W = 128
_BB = 8
_CB = _BB * _C
_BIG = 1 << 30
_NPTS = 128 * _C
_PER_W = 80
_HW = _H * _W


def _tc_kernel(x_ref, s_ref, i_ref):
    xb = x_ref[...].reshape(_CB, _H, _W)
    cm = jnp.max(xb, axis=1)
    m = jnp.max(cm, axis=1, keepdims=True)
    r3 = lax.broadcasted_iota(jnp.int32, (1, _H, _W), 1)
    c3 = lax.broadcasted_iota(jnp.int32, (1, _H, _W), 2)
    flat = r3 * _W + c3
    cand = jnp.where(xb == m[:, :, None], flat, _BIG)
    idx = jnp.min(jnp.min(cand, axis=1), axis=1, keepdims=True)
    s_ref[...] = m.reshape(_BB, _C, 1)
    i_ref[...] = idx.reshape(_BB, _C, 1)


def _sc_kernel(idx_hbm, score_hbm, x1d_hbm, ox_hbm, oy_hbm,
               idx_v, score_v,
               rl_v, rr_v, ru_v, rd_v,
               gl_v, gr_v, gu_v, gd_v,
               ox_v, oy_v,
               sem_l, sem_r, sem_u, sem_d):
    wid = lax.axis_index("s") * 2 + lax.axis_index("c")
    base_pt = jnp.minimum(wid * _PER_W, _NPTS - _PER_W)

    pltpu.sync_copy(idx_hbm.at[pl.ds(base_pt, _PER_W)], idx_v)
    pltpu.sync_copy(score_hbm.at[pl.ds(base_pt, _PER_W)], score_v)

    iota16 = lax.iota(jnp.int32, 16)
    for c in range(_PER_W // 16):
        sl = pl.ds(c * 16, 16)
        iv = idx_v[sl]
        iy = lax.shift_right_logical(iv, 7)
        ix = jnp.bitwise_and(iv, _W - 1)
        pt = base_pt + c * 16 + iota16
        base_el = pt * _HW

        rl_v[sl] = base_el + iy * _W + jnp.maximum(ix - 1, 0)
        rr_v[sl] = base_el + iy * _W + jnp.minimum(ix + 1, _W - 1)
        ru_v[sl] = base_el + jnp.maximum(iy - 1, 0) * _W + ix
        rd_v[sl] = base_el + jnp.minimum(iy + 1, _H - 1) * _W + ix

    cl = pltpu.async_copy(x1d_hbm.at[rl_v], gl_v, sem_l)
    cr = pltpu.async_copy(x1d_hbm.at[rr_v], gr_v, sem_r)
    cu = pltpu.async_copy(x1d_hbm.at[ru_v], gu_v, sem_u)
    cd = pltpu.async_copy(x1d_hbm.at[rd_v], gd_v, sem_d)
    cl.wait()
    cr.wait()
    cu.wait()
    cd.wait()

    for c in range(_PER_W // 16):
        sl = pl.ds(c * 16, 16)
        vl = gl_v[sl]
        vr = gr_v[sl]
        vu = gu_v[sl]
        vd = gd_v[sl]

        iv = idx_v[sl]
        iy = lax.shift_right_logical(iv, 7)
        ix = jnp.bitwise_and(iv, _W - 1)
        s = score_v[sl]
        pos = s > 0.0
        fx = jnp.where(pos, ix.astype(jnp.float32), 0.0)
        fy = jnp.where(pos, iy.astype(jnp.float32), 0.0)
        cond = pos & (ix > 0) & (ix < _W - 1) & (iy > 0) & (iy < _H - 1)
        dx = jnp.sign(vr - vl) * 0.25
        dy = jnp.sign(vd - vu) * 0.25
        ox_v[sl] = fx + jnp.where(cond, dx, 0.0)
        oy_v[sl] = fy + jnp.where(cond, dy, 0.0)

    pltpu.sync_copy(ox_v, ox_hbm.at[pl.ds(base_pt, _PER_W)])
    pltpu.sync_copy(oy_v, oy_hbm.at[pl.ds(base_pt, _PER_W)])


@functools.cache
def _get_sc_call():
    return pl.kernel(
        _sc_kernel,
        mesh=plsc.VectorSubcoreMesh(core_axis_name="c", subcore_axis_name="s"),
        out_type=[
            jax.ShapeDtypeStruct((_NPTS,), jnp.float32),
            jax.ShapeDtypeStruct((_NPTS,), jnp.float32),
        ],
        scratch_types=(
            [pltpu.VMEM((_PER_W,), jnp.int32),
             pltpu.VMEM((_PER_W,), jnp.float32)]
            + [pltpu.VMEM((_PER_W,), jnp.int32) for _ in range(4)]
            + [pltpu.VMEM((_PER_W,), jnp.float32) for _ in range(4)]
            + [pltpu.VMEM((_PER_W,), jnp.float32) for _ in range(2)]
            + [pltpu.SemaphoreType.DMA for _ in range(4)]
        ),
    )


@jax.jit
def kernel(x):
    batch = x.shape[0]
    score, idx = pl.pallas_call(
        _tc_kernel,
        grid=(batch // _BB,),
        in_specs=[pl.BlockSpec((_BB, _C, _H, _W), lambda i: (i, 0, 0, 0))],
        out_specs=[
            pl.BlockSpec((_BB, _C, 1), lambda i: (i, 0, 0)),
            pl.BlockSpec((_BB, _C, 1), lambda i: (i, 0, 0)),
        ],
        out_shape=[
            jax.ShapeDtypeStruct((batch, _C, 1), jnp.float32),
            jax.ShapeDtypeStruct((batch, _C, 1), jnp.int32),
        ],
    )(x)

    n = batch * _C
    score_f = score.reshape(n)
    idx_f = idx.reshape(n)
    x1d = x.reshape(-1)

    ox, oy = _get_sc_call()(idx_f, score_f, x1d)
    pts = jnp.stack(
        [ox.reshape(batch, _C), oy.reshape(batch, _C),
         score_f.reshape(batch, _C)], axis=2)
    return pts

# --- scband reference (transcript-rebuilt; emitter-appended) ---
"""Pipeline reference for scband-heatmap-max-det-block-20504173871276 (READ-ONLY COPY).

The authoritative reference and input builder live on the scoring server;
editing this copy changes nothing except your own understanding.
"""

import jax, jax.numpy as jnp
import numpy as np


def setup_inputs(seed: int = 0) -> dict:
    key = jax.random.key(seed)
    x = jax.random.normal(key, (128, 17, 128, 128), dtype=jnp.float32)
    return {"x": x}


def reference(x):
    batch, channels, H, W = x.shape
    heatmap_vector = x.reshape(batch, channels, -1)
    scores = jnp.max(heatmap_vector, axis=2, keepdims=True)
    indices = jnp.argmax(heatmap_vector, axis=2)[:, :, None]
    scores_mask = (scores > 0.0).astype(jnp.float32)
    pts_x = (indices % W).astype(jnp.float32) * scores_mask
    pts_y = (indices // W).astype(jnp.float32) * scores_mask
    pts = jnp.concatenate((pts_x, pts_y, scores), axis=2)

    # sub-pixel refinement (vectorized form of the per-(b,k) python loop)
    px = pts[:, :, 0].astype(jnp.int32)
    py = pts[:, :, 1].astype(jnp.int32)
    cond = (px > 0) & (px < W - 1) & (py > 0) & (py < H - 1)

    b_idx = jnp.arange(batch)[:, None]
    k_idx = jnp.arange(channels)[None, :]

    def gather(yy, xx):
        yy = jnp.clip(yy, 0, H - 1)
        xx = jnp.clip(xx, 0, W - 1)
        return x[b_idx, k_idx, yy, xx]

    dx = jnp.sign(gather(py, px + 1) - gather(py, px - 1)) * 0.25
    dy = jnp.sign(gather(py + 1, px) - gather(py - 1, px)) * 0.25

    new_x = pts[:, :, 0] + jnp.where(cond, dx, 0.0)
    new_y = pts[:, :, 1] + jnp.where(cond, dy, 0.0)
    pts = jnp.stack([new_x, new_y, pts[:, :, 2]], axis=2)
    return pts

if __name__ == "__main__":
    import jax
    _d = setup_inputs()
    print(jax.jit(kernel)(*tuple(_d.values())))

</pallas_src>

<mosaic_0001>
#map = affine_map<(d0, d1) -> (0)>
module attributes {stable_mosaic.version = 14 : i64} {
  func.func @_sc_kernel(%arg0: i32, %arg1: i32, %arg2: memref<2176xi32, #tpu.memory_space<hbm>>, %arg3: memref<2176xf32, #tpu.memory_space<hbm>>, %arg4: memref<35651584xf32, #tpu.memory_space<hbm>>, %arg5: memref<2176xf32, #tpu.memory_space<hbm>>, %arg6: memref<2176xf32, #tpu.memory_space<hbm>>, %arg7: memref<80xi32, #tpu.memory_space<vmem>>, %arg8: memref<80xf32, #tpu.memory_space<vmem>>, %arg9: memref<80xi32, #tpu.memory_space<vmem>>, %arg10: memref<80xi32, #tpu.memory_space<vmem>>, %arg11: memref<80xi32, #tpu.memory_space<vmem>>, %arg12: memref<80xi32, #tpu.memory_space<vmem>>, %arg13: memref<80xf32, #tpu.memory_space<vmem>>, %arg14: memref<80xf32, #tpu.memory_space<vmem>>, %arg15: memref<80xf32, #tpu.memory_space<vmem>>, %arg16: memref<80xf32, #tpu.memory_space<vmem>>, %arg17: memref<80xf32, #tpu.memory_space<vmem>>, %arg18: memref<80xf32, #tpu.memory_space<vmem>>, %arg19: memref<!tpu.dma_semaphore, #tpu.memory_space<semaphore_mem>>, %arg20: memref<!tpu.dma_semaphore, #tpu.memory_space<semaphore_mem>>, %arg21: memref<!tpu.dma_semaphore, #tpu.memory_space<semaphore_mem>>, %arg22: memref<!tpu.dma_semaphore, #tpu.memory_space<semaphore_mem>>) attributes {dimension_semantics = [#tpu.dimension_semantics<core_parallel>, #tpu.dimension_semantics<subcore_parallel>], iteration_bounds = array<i64: 2, 16>, scalar_prefetch = 0 : i64, scratch_operands = 16 : i64, tpu.core_type = #tpu.core_type<sc_vector_subcore>, window_params = [{transform_indices = #map}, {transform_indices = #map}, {transform_indices = #map}, {transform_indices = #map}, {transform_indices = #map}]} {
    %mul3A = arith.constant 2 : i32
    %mul3A_0 = arith.muli %arg1, %mul3A : i32
    %add3A = arith.addi %mul3A_0, %arg0 : i32
    %mul3A_1 = arith.constant 80 : i32
    %mul3A_2 = arith.muli %add3A, %mul3A_1 : i32
    %min3A = arith.constant 2096 : i32
    %min3A_3 = arith.minsi %mul3A_2, %min3A : i32
    "tpu.region"() ({
      %run_scoped3A = tpu.sem_alloc : memref<!tpu.dma_semaphore, #tpu.memory_space<semaphore_mem>>
      %dma_start3A_890 = tpu.memref_slice %arg2[%min3A_3] : memref<2176xi32, #tpu.memory_space<hbm>> -> memref<80xi32, #tpu.memory_space<hbm>>
      %dma_start3A_891 = tpu.memref_slice %arg2[%min3A_3] : memref<2176xi32, #tpu.memory_space<hbm>> -> memref<80xi32, #tpu.memory_space<hbm>>
      tpu.enqueue_dma source(%dma_start3A_891 : memref<80xi32, #tpu.memory_space<hbm>>) target(%arg7 : memref<80xi32, #tpu.memory_space<vmem>>) target_semaphore(%run_scoped3A : memref<!tpu.dma_semaphore, #tpu.memory_space<semaphore_mem>>)
      %dma_wait3A_892 = tpu.memref_slice %arg2[%min3A_3] : memref<2176xi32, #tpu.memory_space<hbm>> -> memref<80xi32, #tpu.memory_space<hbm>>
      %dma_wait3A_893 = tpu.memref_slice %arg2[%min3A_3] : memref<2176xi32, #tpu.memory_space<hbm>> -> memref<80xi32, #tpu.memory_space<hbm>>
      tpu.wait_dma2 semaphore(%run_scoped3A : memref<!tpu.dma_semaphore, #tpu.memory_space<semaphore_mem>>) src(%dma_wait3A_893 : memref<80xi32, #tpu.memory_space<hbm>>) dst(%arg7 : memref<80xi32, #tpu.memory_space<vmem>>)
      tpu.yield
    }) : () -> ()
    "tpu.region"() ({
      %run_scoped3A = tpu.sem_alloc : memref<!tpu.dma_semaphore, #tpu.memory_space<semaphore_mem>>
      %dma_start3A_890 = tpu.memref_slice %arg3[%min3A_3] : memref<2176xf32, #tpu.memory_space<hbm>> -> memref<80xf32, #tpu.memory_space<hbm>>
      %dma_start3A_891 = tpu.memref_slice %arg3[%min3A_3] : memref<2176xf32, #tpu.memory_space<hbm>> -> memref<80xf32, #tpu.memory_space<hbm>>
      tpu.enqueue_dma source(%dma_start3A_891 : memref<80xf32, #tpu.memory_space<hbm>>) target(%arg8 : memref<80xf32, #tpu.memory_space<vmem>>) target_semaphore(%run_scoped3A : memref<!tpu.dma_semaphore, #tpu.memory_space<semaphore_mem>>)
      %dma_wait3A_892 = tpu.memref_slice %arg3[%min3A_3] : memref<2176xf32, #tpu.memory_space<hbm>> -> memref<80xf32, #tpu.memory_space<hbm>>
      %dma_wait3A_893 = tpu.memref_slice %arg3[%min3A_3] : memref<2176xf32, #tpu.memory_space<hbm>> -> memref<80xf32, #tpu.memory_space<hbm>>
      tpu.wait_dma2 semaphore(%run_scoped3A : memref<!tpu.dma_semaphore, #tpu.memory_space<semaphore_mem>>) src(%dma_wait3A_893 : memref<80xf32, #tpu.memory_space<hbm>>) dst(%arg8 : memref<80xf32, #tpu.memory_space<vmem>>)
      tpu.yield
    }) : () -> ()
    %iota3A = tpu.iota {dimensions = array<i32: 0>} : vector<16xi32>
    %get3A = arith.constant 0 : index
    %get3A_4 = tpu.vector_load %arg7[%get3A] {strides = array<i32>} : memref<80xi32, #tpu.memory_space<vmem>>, vector<16xi32>,
    %get3A_5 = vector.shape_cast %get3A_4 : vector<16xi32> to vector<16xi32>
    %shift_right_logical3A = arith.constant 7 : i32
    %shift_right_logical3A_6 = vector.broadcast %shift_right_logical3A : i32 to vector<16xi32>
    %shift_right_logical3A_7 = arith.shrui %get3A_5, %shift_right_logical3A_6 : vector<16xi32>
    %and3A = arith.constant 127 : i32
    %and3A_8 = vector.broadcast %and3A : i32 to vector<16xi32>
    %and3A_9 = arith.andi %get3A_5, %and3A_8 : vector<16xi32>
    %add3A_10 = arith.constant 0 : i32
    %add3A_11 = arith.addi %min3A_3, %add3A_10 : i32
    %add3A_12 = vector.broadcast %add3A_11 : i32 to vector<16xi32>
    %add3A_13 = arith.addi %add3A_12, %iota3A : vector<16xi32>
    %mul3A_14 = arith.constant 16384 : i32
    %mul3A_15 = vector.broadcast %mul3A_14 : i32 to vector<16xi32>
    %mul3A_16 = arith.muli %add3A_13, %mul3A_15 : vector<16xi32>
    %mul3A_17 = arith.constant 128 : i32
    %mul3A_18 = vector.broadcast %mul3A_17 : i32 to vector<16xi32>
    %mul3A_19 = arith.muli %shift_right_logical3A_7, %mul3A_18 : vector<16xi32>
    %add3A_20 = arith.addi %mul3A_16, %mul3A_19 : vector<16xi32>
    %sub3A = arith.constant 1 : i32
    %sub3A_21 = vector.broadcast %sub3A : i32 to vector<16xi32>
    %sub3A_22 = arith.subi %and3A_9, %sub3A_21 : vector<16xi32>
    %max3A = arith.constant 0 : i32
    %max3A_23 = vector.broadcast %max3A : i32 to vector<16xi32>
    %max3A_24 = arith.maxsi %sub3A_22, %max3A_23 : vector<16xi32>
    %add3A_25 = arith.addi %add3A_20, %max3A_24 : vector<16xi32>
    %swap3A = arith.constant 0 : index
    %swap3A_26 = tpu.vector_load %arg9[%swap3A] {strides = array<i32>} : memref<80xi32, #tpu.memory_space<vmem>>, vector<16xi32>,
    %swap3A_27 = vector.shape_cast %swap3A_26 : vector<16xi32> to vector<16xi32>
    %swap3A_28 = vector.shape_cast %add3A_25 : vector<16xi32> to vector<16xi32>
    tpu.vector_store %arg9[%swap3A], %swap3A_28 {strides = array<i32>} : memref<80xi32, #tpu.memory_space<vmem>>, vector<16xi32>,
    %mul3A_29 = arith.constant 128 : i32
    %mul3A_30 = vector.broadcast %mul3A_29 : i32 to vector<16xi32>
    %mul3A_31 = arith.muli %shift_right_logical3A_7, %mul3A_30 : vector<16xi32>
    %add3A_32 = arith.addi %mul3A_16, %mul3A_31 : vector<16xi32>
    %add3A_33 = arith.constant 1 : i32
    %add3A_34 = vector.broadcast %add3A_33 : i32 to vector<16xi32>
    %add3A_35 = arith.addi %and3A_9, %add3A_34 : vector<16xi32>
    %min3A_36 = arith.constant 127 : i32
    %min3A_37 = vector.broadcast %min3A_36 : i32 to vector<16xi32>
    %min3A_38 = arith.minsi %add3A_35, %min3A_37 : vector<16xi32>
    %add3A_39 = arith.addi %add3A_32, %min3A_38 : vector<16xi32>
    %swap3A_40 = arith.constant 0 : index
    %swap3A_41 = tpu.vector_load %arg10[%swap3A_40] {strides = array<i32>} : memref<80xi32, #tpu.memory_space<vmem>>, vector<16xi32>,
    %swap3A_42 = vector.shape_cast %swap3A_41 : vector<16xi32> to vector<16xi32>
    %swap3A_43 = vector.shape_cast %add3A_39 : vector<16xi32> to vector<16xi32>
    tpu.vector_store %arg10[%swap3A_40], %swap3A_43 {strides = array<i32>} : memref<80xi32, #tpu.memory_space<vmem>>, vector<16xi32>,
    %sub3A_44 = arith.constant 1 : i32
    %sub3A_45 = vector.broadcast %sub3A_44 : i32 to vector<16xi32>
    %sub3A_46 = arith.subi %shift_right_logical3A_7, %sub3A_45 : vector<16xi32>
    %max3A_47 = arith.constant 0 : i32
    %max3A_48 = vector.broadcast %max3A_47 : i32 to vector<16xi32>
    %max3A_49 = arith.maxsi %sub3A_46, %max3A_48 : vector<16xi32>
    %mul3A_50 = arith.constant 128 : i32
    %mul3A_51 = vector.broadcast %mul3A_50 : i32 to vector<16xi32>
    %mul3A_52 = arith.muli %max3A_49, %mul3A_51 : vector<16xi32>
    %add3A_53 = arith.addi %mul3A_16, %mul3A_52 : vector<16xi32>
    %add3A_54 = arith.addi %add3A_53, %and3A_9 : vector<16xi32>
    %swap3A_55 = arith.constant 0 : index
    %swap3A_56 = tpu.vector_load %arg11[%swap3A_55] {strides = array<i32>} : memref<80xi32, #tpu.memory_space<vmem>>, vector<16xi32>,
    %swap3A_57 = vector.shape_cast %swap3A_56 : vector<16xi32> to vector<16xi32>
    %swap3A_58 = vector.shape_cast %add3A_54 : vector<16xi32> to vector<16xi32>
    tpu.vector_store %arg11[%swap3A_55], %swap3A_58 {strides = array<i32>} : memref<80xi32, #tpu.memory_space<vmem>>, vector<16xi32>,
    %add3A_59 = arith.constant 1 : i32
    %add3A_60 = vector.broadcast %add3A_59 : i32 to vector<16xi32>
    %add3A_61 = arith.addi %shift_right_logical3A_7, %add3A_60 : vector<16xi32>
    %min3A_62 = arith.constant 127 : i32
    %min3A_63 = vector.broadcast %min3A_62 : i32 to vector<16xi32>
    %min3A_64 = arith.minsi %add3A_61, %min3A_63 : vector<16xi32>
    %mul3A_65 = arith.constant 128 : i32
    %mul3A_66 = vector.broadcast %mul3A_65 : i32 to vector<16xi32>
    %mul3A_67 = arith.muli %min3A_64, %mul3A_66 : vector<16xi32>
    %add3A_68 = arith.addi %mul3A_16, %mul3A_67 : vector<16xi32>
    %add3A_69 = arith.addi %add3A_68, %and3A_9 : vector<16xi32>
    %swap3A_70 = arith.constant 0 : index
    %swap3A_71 = tpu.vector_load %arg12[%swap3A_70] {strides = array<i32>} : memref<80xi32, #tpu.memory_space<vmem>>, vector<16xi32>,
    %swap3A_72 = vector.shape_cast %swap3A_71 : vector<16xi32> to vector<16xi32>
    %swap3A_73 = vector.shape_cast %add3A_69 : vector<16xi32> to vector<16xi32>
    tpu.vector_store %arg12[%swap3A_70], %swap3A_73 {strides = array<i32>} : memref<80xi32, #tpu.memory_space<vmem>>, vector<16xi32>,
    %get3A_74 = arith.constant 16 : index
    %get3A_75 = tpu.vector_load %arg7[%get3A_74] {strides = array<i32>} : memref<80xi32, #tpu.memory_space<vmem>>, vector<16xi32>,
    %get3A_76 = vector.shape_cast %get3A_75 : vector<16xi32> to vector<16xi32>
    %shift_right_logical3A_77 = arith.constant 7 : i32
    %shift_right_logical3A_78 = vector.broadcast %shift_right_logical3A_77 : i32 to vector<16xi32>
    %shift_right_logical3A_79 = arith.shrui %get3A_76, %shift_right_logical3A_78 : vector<16xi32>
    %and3A_80 = arith.constant 127 : i32
    %and3A_81 = vector.broadcast %and3A_80 : i32 to vector<16xi32>
    %and3A_82 = arith.andi %get3A_76, %and3A_81 : vector<16xi32>
    %add3A_83 = arith.constant 16 : i32
    %add3A_84 = arith.addi %min3A_3, %add3A_83 : i32
    %add3A_85 = vector.broadcast %add3A_84 : i32 to vector<16xi32>
    %add3A_86 = arith.addi %add3A_85, %iota3A : vector<16xi32>
    %mul3A_87 = arith.constant 16384 : i32
    %mul3A_88 = vector.broadcast %mul3A_87 : i32 to vector<16xi32>
    %mul3A_89 = arith.muli %add3A_86, %mul3A_88 : vector<16xi32>
    %mul3A_90 = arith.constant 128 : i32
    %mul3A_91 = vector.broadcast %mul3A_90 : i32 to vector<16xi32>
    %mul3A_92 = arith.muli %shift_right_logical3A_79, %mul3A_91 : vector<16xi32>
    %add3A_93 = arith.addi %mul3A_89, %mul3A_92 : vector<16xi32>
    %sub3A_94 = arith.constant 1 : i32
    %sub3A_95 = vector.broadcast %sub3A_94 : i32 to vector<16xi32>
    %sub3A_96 = arith.subi %and3A_82, %sub3A_95 : vector<16xi32>
    %max3A_97 = arith.constant 0 : i32
    %max3A_98 = vector.broadcast %max3A_97 : i32 to vector<16xi32>
    %max3A_99 = arith.maxsi %sub3A_96, %max3A_98 : vector<16xi32>
    %add3A_100 = arith.addi %add3A_93, %max3A_99 : vector<16xi32>
    %swap3A_101 = arith.constant 16 : index
    %swap3A_102 = tpu.vector_load %arg9[%swap3A_101] {strides = array<i32>} : memref<80xi32, #tpu.memory_space<vmem>>, vector<16xi32>,
    %swap3A_103 = vector.shape_cast %swap3A_102 : vector<16xi32> to vector<16xi32>
    %swap3A_104 = vector.shape_cast %add3A_100 : vector<16xi32> to vector<16xi32>
    tpu.vector_store %arg9[%swap3A_101], %swap3A_104 {strides = array<i32>} : memref<80xi32, #tpu.memory_space<vmem>>, vector<16xi32>,
    %mul3A_105 = arith.constant 128 : i32
    %mul3A_106 = vector.broadcast %mul3A_105 : i32 to vector<16xi32>
    %mul3A_107 = arith.muli %shift_right_logical3A_79, %mul3A_106 : vector<16xi32>
    %add3A_108 = arith.addi %mul3A_89, %mul3A_107 : vector<16xi32>
    %add3A_109 = arith.constant 1 : i32
    %add3A_110 = vector.broadcast %add3A_109 : i32 to vector<16xi32>
    %add3A_111 = arith.addi %and3A_82, %add3A_110 : vector<16xi32>
    %min3A_112 = arith.constant 127 : i32
    %min3A_113 = vector.broadcast %min3A_112 : i32 to vector<16xi32>
    %min3A_114 = arith.minsi %add3A_111, %min3A_113 : vector<16xi32>
    %add3A_115 = arith.addi %add3A_108, %min3A_114 : vector<16xi32>
    %swap3A_116 = arith.constant 16 : index
    %swap3A_117 = tpu.vector_load %arg10[%swap3A_116] {strides = array<i32>} : memref<80xi32, #tpu.memory_space<vmem>>, vector<16xi32>,
    %swap3A_118 = vector.shape_cast %swap3A_117 : vector<16xi32> to vector<16xi32>
    %swap3A_119 = vector.shape_cast %add3A_115 : vector<16xi32> to vector<16xi32>
    tpu.vector_store %arg10[%swap3A_116], %swap3A_119 {strides = array<i32>} : memref<80xi32, #tpu.memory_space<vmem>>, vector<16xi32>,
    %sub3A_120 = arith.constant 1 : i32
    %sub3A_121 = vector.broadcast %sub3A_120 : i32 to vector<16xi32>
    %sub3A_122 = arith.subi %shift_right_logical3A_79, %sub3A_121 : vector<16xi32>
    %max3A_123 = arith.constant 0 : i32
    %max3A_124 = vector.broadcast %max3A_123 : i32 to vector<16xi32>
    %max3A_125 = arith.maxsi %sub3A_122, %max3A_124 : vector<16xi32>
    %mul3A_126 = arith.constant 128 : i32
    %mul3A_127 = vector.broadcast %mul3A_126 : i32 to vector<16xi32>
    %mul3A_128 = arith.muli %max3A_125, %mul3A_127 : vector<16xi32>
    %add3A_129 = arith.addi %mul3A_89, %mul3A_128 : vector<16xi32>
    %add3A_130 = arith.addi %add3A_129, %and3A_82 : vector<16xi32>
    %swap3A_131 = arith.constant 16 : index
    %swap3A_132 = tpu.vector_load %arg11[%swap3A_131] {strides = array<i32>} : memref<80xi32, #tpu.memory_space<vmem>>, vector<16xi32>,
    %swap3A_133 = vector.shape_cast %swap3A_132 : vector<16xi32> to vector<16xi32>
    %swap3A_134 = vector.shape_cast %add3A_130 : vector<16xi32> to vector<16xi32>
    tpu.vector_store %arg11[%swap3A_131], %swap3A_134 {strides = array<i32>} : memref<80xi32, #tpu.memory_space<vmem>>, vector<16xi32>,
    %add3A_135 = arith.constant 1 : i32
    %add3A_136 = vector.broadcast %add3A_135 : i32 to vector<16xi32>
    %add3A_137 = arith.addi %shift_right_logical3A_79, %add3A_136 : vector<16xi32>
    %min3A_138 = arith.constant 127 : i32
    %min3A_139 = vector.broadcast %min3A_138 : i32 to vector<16xi32>
    %min3A_140 = arith.minsi %add3A_137, %min3A_139 : vector<16xi32>
    %mul3A_141 = arith.constant 128 : i32
    %mul3A_142 = vector.broadcast %mul3A_141 : i32 to vector<16xi32>
    %mul3A_143 = arith.muli %min3A_140, %mul3A_142 : vector<16xi32>
    %add3A_144 = arith.addi %mul3A_89, %mul3A_143 : vector<16xi32>
    %add3A_145 = arith.addi %add3A_144, %and3A_82 : vector<16xi32>
    %swap3A_146 = arith.constant 16 : index
    %swap3A_147 = tpu.vector_load %arg12[%swap3A_146] {strides = array<i32>} : memref<80xi32, #tpu.memory_space<vmem>>, vector<16xi32>,
    %swap3A_148 = vector.shape_cast %swap3A_147 : vector<16xi32> to vector<16xi32>
    %swap3A_149 = vector.shape_cast %add3A_145 : vector<16xi32> to vector<16xi32>
    tpu.vector_store %arg12[%swap3A_146], %swap3A_149 {strides = array<i32>} : memref<80xi32, #tpu.memory_space<vmem>>, vector<16xi32>,
    %get3A_150 = arith.constant 32 : index
    %get3A_151 = tpu.vector_load %arg7[%get3A_150] {strides = array<i32>} : memref<80xi32, #tpu.memory_space<vmem>>, vector<16xi32>,
    %get3A_152 = vector.shape_cast %get3A_151 : vector<16xi32> to vector<16xi32>
    %shift_right_logical3A_153 = arith.constant 7 : i32
    %shift_right_logical3A_154 = vector.broadcast %shift_right_logical3A_153 : i32 to vector<16xi32>
    %shift_right_logical3A_155 = arith.shrui %get3A_152, %shift_right_logical3A_154 : vector<16xi32>
    %and3A_156 = arith.constant 127 : i32
    %and3A_157 = vector.broadcast %and3A_156 : i32 to vector<16xi32>
    %and3A_158 = arith.andi %get3A_152, %and3A_157 : vector<16xi32>
    %add3A_159 = arith.constant 32 : i32
    %add3A_160 = arith.addi %min3A_3, %add3A_159 : i32
    %add3A_161 = vector.broadcast %add3A_160 : i32 to vector<16xi32>
    %add3A_162 = arith.addi %add3A_161, %iota3A : vector<16xi32>
    %mul3A_163 = arith.constant 16384 : i32
    %mul3A_164 = vector.broadcast %mul3A_163 : i32 to vector<16xi32>
    %mul3A_165 = arith.muli %add3A_162, %mul3A_164 : vector<16xi32>
    %mul3A_166 = arith.constant 128 : i32
    %mul3A_167 = vector.broadcast %mul3A_166 : i32 to vector<16xi32>
    %mul3A_168 = arith.muli %shift_right_logical3A_155, %mul3A_167 : vector<16xi32>
    %add3A_169 = arith.addi %mul3A_165, %mul3A_168 : vector<16xi32>
    %sub3A_170 = arith.constant 1 : i32
    %sub3A_171 = vector.broadcast %sub3A_170 : i32 to vector<16xi32>
    %sub3A_172 = arith.subi %and3A_158, %sub3A_171 : vector<16xi32>
    %max3A_173 = arith.constant 0 : i32
    %max3A_174 = vector.broadcast %max3A_173 : i32 to vector<16xi32>
    %max3A_175 = arith.maxsi %sub3A_172, %max3A_174 : vector<16xi32>
    %add3A_176 = arith.addi %add3A_169, %max3A_175 : vector<16xi32>
    %swap3A_177 = arith.constant 32 : index
    %swap3A_178 = tpu.vector_load %arg9[%swap3A_177] {strides = array<i32>} : memref<80xi32, #tpu.memory_space<vmem>>, vector<16xi32>,
    %swap3A_179 = vector.shape_cast %swap3A_178 : vector<16xi32> to vector<16xi32>
    %swap3A_180 = vector.shape_cast %add3A_176 : vector<16xi32> to vector<16xi32>
    tpu.vector_store %arg9[%swap3A_177], %swap3A_180 {strides = array<i32>} : memref<80xi32, #tpu.memory_space<vmem>>, vector<16xi32>,
    %mul3A_181 = arith.constant 128 : i32
    %mul3A_182 = vector.broadcast %mul3A_181 : i32 to vector<16xi32>
    %mul3A_183 = arith.muli %shift_right_logical3A_155, %mul3A_182 : vector<16xi32>
    %add3A_184 = arith.addi %mul3A_165, %mul3A_183 : vector<16xi32>
    %add3A_185 = arith.constant 1 : i32
    %add3A_186 = vector.broadcast %add3A_185 : i32 to vector<16xi32>
    %add3A_187 = arith.addi %and3A_158, %add3A_186 : vector<16xi32>
    %min3A_188 = arith.constant 127 : i32
    %min3A_189 = vector.broadcast %min3A_188 : i32 to vector<16xi32>
    %min3A_190 = arith.minsi %add3A_187, %min3A_189 : vector<16xi32>
    %add3A_191 = arith.addi %add3A_184, %min3A_190 : vector<16xi32>
    %swap3A_192 = arith.constant 32 : index
    %swap3A_193 = tpu.vector_load %arg10[%swap3A_192] {strides = array<i32>} : memref<80xi32, #tpu.memory_space<vmem>>, vector<16xi32>,
    %swap3A_194 = vector.shape_cast %swap3A_193 : vector<16xi32> to vector<16xi32>
    %swap3A_195 = vector.shape_cast %add3A_191 : vector<16xi32> to vector<16xi32>
    tpu.vector_store %arg10[%swap3A_192], %swap3A_195 {strides = array<i32>} : memref<80xi32, #tpu.memory_space<vmem>>, vector<16xi32>,
    %sub3A_196 = arith.constant 1 : i32
    %sub3A_197 = vector.broadcast %sub3A_196 : i32 to vector<16xi32>
    %sub3A_198 = arith.subi %shift_right_logical3A_155, %sub3A_197 : vector<16xi32>
    %max3A_199 = arith.constant 0 : i32
    %max3A_200 = vector.broadcast %max3A_199 : i32 to vector<16xi32>
    %max3A_201 = arith.maxsi %sub3A_198, %max3A_200 : vector<16xi32>
    %mul3A_202 = arith.constant 128 : i32
    %mul3A_203 = vector.broadcast %mul3A_202 : i32 to vector<16xi32>
    %mul3A_204 = arith.muli %max3A_201, %mul3A_203 : vector<16xi32>
    %add3A_205 = arith.addi %mul3A_165, %mul3A_204 : vector<16xi32>
    %add3A_206 = arith.addi %add3A_205, %and3A_158 : vector<16xi32>
    %swap3A_207 = arith.constant 32 : index
    %swap3A_208 = tpu.vector_load %arg11[%swap3A_207] {strides = array<i32>} : memref<80xi32, #tpu.memory_space<vmem>>, vector<16xi32>,
    %swap3A_209 = vector.shape_cast %swap3A_208 : vector<16xi32> to vector<16xi32>
    %swap3A_210 = vector.shape_cast %add3A_206 : vector<16xi32> to vector<16xi32>
    tpu.vector_store %arg11[%swap3A_207], %swap3A_210 {strides = array<i32>} : memref<80xi32, #tpu.memory_space<vmem>>, vector<16xi32>,
    %add3A_211 = arith.constant 1 : i32
    %add3A_212 = vector.broadcast %add3A_211 : i32 to vector<16xi32>
    %add3A_213 = arith.addi %shift_right_logical3A_155, %add3A_212 : vector<16xi32>
    %min3A_214 = arith.constant 127 : i32
    %min3A_215 = vector.broadcast %min3A_214 : i32 to vector<16xi32>
    %min3A_216 = arith.minsi %add3A_213, %min3A_215 : vector<16xi32>
    %mul3A_217 = arith.constant 128 : i32
    %mul3A_218 = vector.broadcast %mul3A_217 : i32 to vector<16xi32>
    %mul3A_219 = arith.muli %min3A_216, %mul3A_218 : vector<16xi32>
    %add3A_220 = arith.addi %mul3A_165, %mul3A_219 : vector<16xi32>
    %add3A_221 = arith.addi %add3A_220, %and3A_158 : vector<16xi32>
    %swap3A_222 = arith.constant 32 : index
    %swap3A_223 = tpu.vector_load %arg12[%swap3A_222] {strides = array<i32>} : memref<80xi32, #tpu.memory_space<vmem>>, vector<16xi32>,
    %swap3A_224 = vector.shape_cast %swap3A_223 : vector<16xi32> to vector<16xi32>
    %swap3A_225 = vector.shape_cast %add3A_221 : vector<16xi32> to vector<16xi32>
    tpu.vector_store %arg12[%swap3A_222], %swap3A_225 {strides = array<i32>} : memref<80xi32, #tpu.memory_space<vmem>>, vector<16xi32>,
    %get3A_226 = arith.constant 48 : index
    %get3A_227 = tpu.vector_load %arg7[%get3A_226] {strides = array<i32>} : memref<80xi32, #tpu.memory_space<vmem>>, vector<16xi32>,
    %get3A_228 = vector.shape_cast %get3A_227 : vector<16xi32> to vector<16xi32>
    %shift_right_logical3A_229 = arith.constant 7 : i32
    %shift_right_logical3A_230 = vector.broadcast %shift_right_logical3A_229 : i32 to vector<16xi32>
    %shift_right_logical3A_231 = arith.shrui %get3A_228, %shift_right_logical3A_230 : vector<16xi32>
    %and3A_232 = arith.constant 127 : i32
    %and3A_233 = vector.broadcast %and3A_232 : i32 to vector<16xi32>
    %and3A_234 = arith.andi %get3A_228, %and3A_233 : vector<16xi32>
    %add3A_235 = arith.constant 48 : i32
    %add3A_236 = arith.addi %min3A_3, %add3A_235 : i32
    %add3A_237 = vector.broadcast %add3A_236 : i32 to vector<16xi32>
    %add3A_238 = arith.addi %add3A_237, %iota3A : vector<16xi32>
    %mul3A_239 = arith.constant 16384 : i32
    %mul3A_240 = vector.broadcast %mul3A_239 : i32 to vector<16xi32>
    %mul3A_241 = arith.muli %add3A_238, %mul3A_240 : vector<16xi32>
    %mul3A_242 = arith.constant 128 : i32
    %mul3A_243 = vector.broadcast %mul3A_242 : i32 to vector<16xi32>
    %mul3A_244 = arith.muli %shift_right_logical3A_231, %mul3A_243 : vector<16xi32>
    %add3A_245 = arith.addi %mul3A_241, %mul3A_244 : vector<16xi32>
    %sub3A_246 = arith.constant 1 : i32
    %sub3A_247 = vector.broadcast %sub3A_246 : i32 to vector<16xi32>
    %sub3A_248 = arith.subi %and3A_234, %sub3A_247 : vector<16xi32>
    %max3A_249 = arith.constant 0 : i32
    %max3A_250 = vector.broadcast %max3A_249 : i32 to vector<16xi32>
    %max3A_251 = arith.maxsi %sub3A_248, %max3A_250 : vector<16xi32>
    %add3A_252 = arith.addi %add3A_245, %max3A_251 : vector<16xi32>
    %swap3A_253 = arith.constant 48 : index
    %swap3A_254 = tpu.vector_load %arg9[%swap3A_253] {strides = array<i32>} : memref<80xi32, #tpu.memory_space<vmem>>, vector<16xi32>,
    %swap3A_255 = vector.shape_cast %swap3A_254 : vector<16xi32> to vector<16xi32>
    %swap3A_256 = vector.shape_cast %add3A_252 : vector<16xi32> to vector<16xi32>
    tpu.vector_store %arg9[%swap3A_253], %swap3A_256 {strides = array<i32>} : memref<80xi32, #tpu.memory_space<vmem>>, vector<16xi32>,
    %mul3A_257 = arith.constant 128 : i32
    %mul3A_258 = vector.broadcast %mul3A_257 : i32 to vector<16xi32>
    %mul3A_259 = arith.muli %shift_right_logical3A_231, %mul3A_258 : vector<16xi32>
    %add3A_260 = arith.addi %mul3A_241, %mul3A_259 : vector<16xi32>
    %add3A_261 = arith.constant 1 : i32
    %add3A_262 = vector.broadcast %add3A_261 : i32 to vector<16xi32>
    %add3A_263 = arith.addi %and3A_234, %add3A_262 : vector<16xi32>
    %min3A_264 = arith.constant 127 : i32
    %min3A_265 = vector.broadcast %min3A_264 : i32 to vector<16xi32>
    %min3A_266 = arith.minsi %add3A_263, %min3A_265 : vector<16xi32>
    %add3A_267 = arith.addi %add3A_260, %min3A_266 : vector<16xi32>
    %swap3A_268 = arith.constant 48 : index
    %swap3A_269 = tpu.vector_load %arg10[%swap3A_268] {strides = array<i32>} : memref<80xi32, #tpu.memory_space<vmem>>, vector<16xi32>,
    %swap3A_270 = vector.shape_cast %swap3A_269 : vector<16xi32> to vector<16xi32>
    %swap3A_271 = vector.shape_cast %add3A_267 : vector<16xi32> to vector<16xi32>
    tpu.vector_store %arg10[%swap3A_268], %swap3A_271 {strides = array<i32>} : memref<80xi32, #tpu.memory_space<vmem>>, vector<16xi32>,
    %sub3A_272 = arith.constant 1 : i32
    %sub3A_273 = vector.broadcast %sub3A_272 : i32 to vector<16xi32>
    %sub3A_274 = arith.subi %shift_right_logical3A_231, %sub3A_273 : vector<16xi32>
    %max3A_275 = arith.constant 0 : i32
    %max3A_276 = vector.broadcast %max3A_275 : i32 to vector<16xi32>
    %max3A_277 = arith.maxsi %sub3A_274, %max3A_276 : vector<16xi32>
    %mul3A_278 = arith.constant 128 : i32
    %mul3A_279 = vector.broadcast %mul3A_278 : i32 to vector<16xi32>
    %mul3A_280 = arith.muli %max3A_277, %mul3A_279 : vector<16xi32>
    %add3A_281 = arith.addi %mul3A_241, %mul3A_280 : vector<16xi32>
    %add3A_282 = arith.addi %add3A_281, %and3A_234 : vector<16xi32>
    %swap3A_283 = arith.constant 48 : index
    %swap3A_284 = tpu.vector_load %arg11[%swap3A_283] {strides = array<i32>} : memref<80xi32, #tpu.memory_space<vmem>>, vector<16xi32>,
    %swap3A_285 = vector.shape_cast %swap3A_284 : vector<16xi32> to vector<16xi32>
    %swap3A_286 = vector.shape_cast %add3A_282 : vector<16xi32> to vector<16xi32>
    tpu.vector_store %arg11[%swap3A_283], %swap3A_286 {strides = array<i32>} : memref<80xi32, #tpu.memory_space<vmem>>, vector<16xi32>,
    %add3A_287 = arith.constant 1 : i32
    %add3A_288 = vector.broadcast %add3A_287 : i32 to vector<16xi32>
    %add3A_289 = arith.addi %shift_right_logical3A_231, %add3A_288 : vector<16xi32>
    %min3A_290 = arith.constant 127 : i32
    %min3A_291 = vector.broadcast %min3A_290 : i32 to vector<16xi32>
    %min3A_292 = arith.minsi %add3A_289, %min3A_291 : vector<16xi32>
    %mul3A_293 = arith.constant 128 : i32
    %mul3A_294 = vector.broadcast %mul3A_293 : i32 to vector<16xi32>
    %mul3A_295 = arith.muli %min3A_292, %mul3A_294 : vector<16xi32>
    %add3A_296 = arith.addi %mul3A_241, %mul3A_295 : vector<16xi32>
    %add3A_297 = arith.addi %add3A_296, %and3A_234 : vector<16xi32>
    %swap3A_298 = arith.constant 48 : index
    %swap3A_299 = tpu.vector_load %arg12[%swap3A_298] {strides = array<i32>} : memref<80xi32, #tpu.memory_space<vmem>>, vector<16xi32>,
    %swap3A_300 = vector.shape_cast %swap3A_299 : vector<16xi32> to vector<16xi32>
    %swap3A_301 = vector.shape_cast %add3A_297 : vector<16xi32> to vector<16xi32>
    tpu.vector_store %arg12[%swap3A_298], %swap3A_301 {strides = array<i32>} : memref<80xi32, #tpu.memory_space<vmem>>, vector<16xi32>,
    %get3A_302 = arith.constant 64 : index
    %get3A_303 = tpu.vector_load %arg7[%get3A_302] {strides = array<i32>} : memref<80xi32, #tpu.memory_space<vmem>>, vector<16xi32>,
    %get3A_304 = vector.shape_cast %get3A_303 : vector<16xi32> to vector<16xi32>
    %shift_right_logical3A_305 = arith.constant 7 : i32
    %shift_right_logical3A_306 = vector.broadcast %shift_right_logical3A_305 : i32 to vector<16xi32>
    %shift_right_logical3A_307 = arith.shrui %get3A_304, %shift_right_logical3A_306 : vector<16xi32>
    %and3A_308 = arith.constant 127 : i32
    %and3A_309 = vector.broadcast %and3A_308 : i32 to vector<16xi32>
    %and3A_310 = arith.andi %get3A_304, %and3A_309 : vector<16xi32>
    %add3A_311 = arith.constant 64 : i32
    %add3A_312 = arith.addi %min3A_3, %add3A_311 : i32
    %add3A_313 = vector.broadcast %add3A_312 : i32 to vector<16xi32>
    %add3A_314 = arith.addi %add3A_313, %iota3A : vector<16xi32>
    %mul3A_315 = arith.constant 16384 : i32
    %mul3A_316 = vector.broadcast %mul3A_315 : i32 to vector<16xi32>
    %mul3A_317 = arith.muli %add3A_314, %mul3A_316 : vector<16xi32>
    %mul3A_318 = arith.constant 128 : i32
    %mul3A_319 = vector.broadcast %mul3A_318 : i32 to vector<16xi32>
    %mul3A_320 = arith.muli %shift_right_logical3A_307, %mul3A_319 : vector<16xi32>
    %add3A_321 = arith.addi %mul3A_317, %mul3A_320 : vector<16xi32>
    %sub3A_322 = arith.constant 1 : i32
    %sub3A_323 = vector.broadcast %sub3A_322 : i32 to vector<16xi32>
    %sub3A_324 = arith.subi %and3A_310, %sub3A_323 : vector<16xi32>
    %max3A_325 = arith.constant 0 : i32
    %max3A_326 = vector.broadcast %max3A_325 : i32 to vector<16xi32>
    %max3A_327 = arith.maxsi %sub3A_324, %max3A_326 : vector<16xi32>
    %add3A_328 = arith.addi %add3A_321, %max3A_327 : vector<16xi32>
    %swap3A_329 = arith.constant 64 : index
    %swap3A_330 = tpu.vector_load %arg9[%swap3A_329] {strides = array<i32>} : memref<80xi32, #tpu.memory_space<vmem>>, vector<16xi32>,
    %swap3A_331 = vector.shape_cast %swap3A_330 : vector<16xi32> to vector<16xi32>
    %swap3A_332 = vector.shape_cast %add3A_328 : vector<16xi32> to vector<16xi32>
    tpu.vector_store %arg9[%swap3A_329], %swap3A_332 {strides = array<i32>} : memref<80xi32, #tpu.memory_space<vmem>>, vector<16xi32>,
    %mul3A_333 = arith.constant 128 : i32
    %mul3A_334 = vector.broadcast %mul3A_333 : i32 to vector<16xi32>
    %mul3A_335 = arith.muli %shift_right_logical3A_307, %mul3A_334 : vector<16xi32>
    %add3A_336 = arith.addi %mul3A_317, %mul3A_335 : vector<16xi32>
    %add3A_337 = arith.constant 1 : i32
    %add3A_338 = vector.broadcast %add3A_337 : i32 to vector<16xi32>
    %add3A_339 = arith.addi %and3A_310, %add3A_338 : vector<16xi32>
    %min3A_340 = arith.constant 127 : i32
    %min3A_341 = vector.broadcast %min3A_340 : i32 to vector<16xi32>
    %min3A_342 = arith.minsi %add3A_339, %min3A_341 : vector<16xi32>
    %add3A_343 = arith.addi %add3A_336, %min3A_342 : vector<16xi32>
    %swap3A_344 = arith.constant 64 : index
    %swap3A_345 = tpu.vector_load %arg10[%swap3A_344] {strides = array<i32>} : memref<80xi32, #tpu.memory_space<vmem>>, vector<16xi32>,
    %swap3A_346 = vector.shape_cast %swap3A_345 : vector<16xi32> to vector<16xi32>
    %swap3A_347 = vector.shape_cast %add3A_343 : vector<16xi32> to vector<16xi32>
    tpu.vector_store %arg10[%swap3A_344], %swap3A_347 {strides = array<i32>} : memref<80xi32, #tpu.memory_space<vmem>>, vector<16xi32>,
    %sub3A_348 = arith.constant 1 : i32
    %sub3A_349 = vector.broadcast %sub3A_348 : i32 to vector<16xi32>
    %sub3A_350 = arith.subi %shift_right_logical3A_307, %sub3A_349 : vector<16xi32>
    %max3A_351 = arith.constant 0 : i32
    %max3A_352 = vector.broadcast %max3A_351 : i32 to vector<16xi32>
    %max3A_353 = arith.maxsi %sub3A_350, %max3A_352 : vector<16xi32>
    %mul3A_354 = arith.constant 128 : i32
    %mul3A_355 = vector.broadcast %mul3A_354 : i32 to vector<16xi32>
    %mul3A_356 = arith.muli %max3A_353, %mul3A_355 : vector<16xi32>
    %add3A_357 = arith.addi %mul3A_317, %mul3A_356 : vector<16xi32>
    %add3A_358 = arith.addi %add3A_357, %and3A_310 : vector<16xi32>
    %swap3A_359 = arith.constant 64 : index
    %swap3A_360 = tpu.vector_load %arg11[%swap3A_359] {strides = array<i32>} : memref<80xi32, #tpu.memory_space<vmem>>, vector<16xi32>,
    %swap3A_361 = vector.shape_cast %swap3A_360 : vector<16xi32> to vector<16xi32>
    %swap3A_362 = vector.shape_cast %add3A_358 : vector<16xi32> to vector<16xi32>
    tpu.vector_store %arg11[%swap3A_359], %swap3A_362 {strides = array<i32>} : memref<80xi32, #tpu.memory_space<vmem>>, vector<16xi32>,
    %add3A_363 = arith.constant 1 : i32
    %add3A_364 = vector.broadcast %add3A_363 : i32 to vector<16xi32>
    %add3A_365 = arith.addi %shift_right_logical3A_307, %add3A_364 : vector<16xi32>
    %min3A_366 = arith.constant 127 : i32
    %min3A_367 = vector.broadcast %min3A_366 : i32 to vector<16xi32>
    %min3A_368 = arith.minsi %add3A_365, %min3A_367 : vector<16xi32>
    %mul3A_369 = arith.constant 128 : i32
    %mul3A_370 = vector.broadcast %mul3A_369 : i32 to vector<16xi32>
    %mul3A_371 = arith.muli %min3A_368, %mul3A_370 : vector<16xi32>
    %add3A_372 = arith.addi %mul3A_317, %mul3A_371 : vector<16xi32>
    %add3A_373 = arith.addi %add3A_372, %and3A_310 : vector<16xi32>
    %swap3A_374 = arith.constant 64 : index
    %swap3A_375 = tpu.vector_load %arg12[%swap3A_374] {strides = array<i32>} : memref<80xi32, #tpu.memory_space<vmem>>, vector<16xi32>,
    %swap3A_376 = vector.shape_cast %swap3A_375 : vector<16xi32> to vector<16xi32>
    %swap3A_377 = vector.shape_cast %add3A_373 : vector<16xi32> to vector<16xi32>
    tpu.vector_store %arg12[%swap3A_374], %swap3A_377 {strides = array<i32>} : memref<80xi32, #tpu.memory_space<vmem>>, vector<16xi32>,
    %dma_start3A = arith.constant 0 : i32
    %dma_start3A_378 = tpu.memref_slice %arg4[%dma_start3A] : memref<35651584xf32, #tpu.memory_space<hbm>> -> memref<35651584xf32, #tpu.memory_space<hbm>>
    tpu.enqueue_indirect_dma source(%dma_start3A_378 : memref<35651584xf32, #tpu.memory_space<hbm>>) target(%arg13 : memref<80xf32, #tpu.memory_space<vmem>>) offsets(%arg9 : memref<80xi32, #tpu.memory_space<vmem>>) semaphore(%arg19 : memref<!tpu.dma_semaphore, #tpu.memory_space<semaphore_mem>>)
    %dma_start3A_379 = arith.constant 0 : i32
    %dma_start3A_380 = tpu.memref_slice %arg4[%dma_start3A_379] : memref<35651584xf32, #tpu.memory_space<hbm>> -> memref<35651584xf32, #tpu.memory_space<hbm>>
    tpu.enqueue_indirect_dma source(%dma_start3A_380 : memref<35651584xf32, #tpu.memory_space<hbm>>) target(%arg14 : memref<80xf32, #tpu.memory_space<vmem>>) offsets(%arg10 : memref<80xi32, #tpu.memory_space<vmem>>) semaphore(%arg20 : memref<!tpu.dma_semaphore, #tpu.memory_space<semaphore_mem>>)
    %dma_start3A_381 = arith.constant 0 : i32
    %dma_start3A_382 = tpu.memref_slice %arg4[%dma_start3A_381] : memref<35651584xf32, #tpu.memory_space<hbm>> -> memref<35651584xf32, #tpu.memory_space<hbm>>
    tpu.enqueue_indirect_dma source(%dma_start3A_382 : memref<35651584xf32, #tpu.memory_space<hbm>>) target(%arg15 : memref<80xf32, #tpu.memory_space<vmem>>) offsets(%arg11 : memref<80xi32, #tpu.memory_space<vmem>>) semaphore(%arg21 : memref<!tpu.dma_semaphore, #tpu.memory_space<semaphore_mem>>)
    %dma_start3A_383 = arith.constant 0 : i32
    %dma_start3A_384 = tpu.memref_slice %arg4[%dma_start3A_383] : memref<35651584xf32, #tpu.memory_space<hbm>> -> memref<35651584xf32, #tpu.memory_space<hbm>>
    tpu.enqueue_indirect_dma source(%dma_start3A_384 : memref<35651584xf32, #tpu.memory_space<hbm>>) target(%arg16 : memref<80xf32, #tpu.memory_space<vmem>>) offsets(%arg12 : memref<80xi32, #tpu.memory_space<vmem>>) semaphore(%arg22 : memref<!tpu.dma_semaphore, #tpu.memory_space<semaphore_mem>>)
    %dma_wait3A = arith.constant 0 : i32
    %dma_wait3A_385 = tpu.memref_slice %arg4[%dma_wait3A] : memref<35651584xf32, #tpu.memory_space<hbm>> -> memref<35651584xf32, #tpu.memory_space<hbm>>
    tpu.wait_indirect_dma semaphore(%arg19 : memref<!tpu.dma_semaphore, #tpu.memory_space<semaphore_mem>>) src(%dma_wait3A_385 : memref<35651584xf32, #tpu.memory_space<hbm>>) dst(%arg13 : memref<80xf32, #tpu.memory_space<vmem>>)
    %dma_wait3A_386 = arith.constant 0 : i32
    %dma_wait3A_387 = tpu.memref_slice %arg4[%dma_wait3A_386] : memref<35651584xf32, #tpu.memory_space<hbm>> -> memref<35651584xf32, #tpu.memory_space<hbm>>
    tpu.wait_indirect_dma semaphore(%arg20 : memref<!tpu.dma_semaphore, #tpu.memory_space<semaphore_mem>>) src(%dma_wait3A_387 : memref<35651584xf32, #tpu.memory_space<hbm>>) dst(%arg14 : memref<80xf32, #tpu.memory_space<vmem>>)
    %dma_wait3A_388 = arith.constant 0 : i32
    %dma_wait3A_389 = tpu.memref_slice %arg4[%dma_wait3A_388] : memref<35651584xf32, #tpu.memory_space<hbm>> -> memref<35651584xf32, #tpu.memory_space<hbm>>
    tpu.wait_indirect_dma semaphore(%arg21 : memref<!tpu.dma_semaphore, #tpu.memory_space<semaphore_mem>>) src(%dma_wait3A_389 : memref<35651584xf32, #tpu.memory_space<hbm>>) dst(%arg15 : memref<80xf32, #tpu.memory_space<vmem>>)
    %dma_wait3A_390 = arith.constant 0 : i32
    %dma_wait3A_391 = tpu.memref_slice %arg4[%dma_wait3A_390] : memref<35651584xf32, #tpu.memory_space<hbm>> -> memref<35651584xf32, #tpu.memory_space<hbm>>
    tpu.wait_indirect_dma semaphore(%arg22 : memref<!tpu.dma_semaphore, #tpu.memory_space<semaphore_mem>>) src(%dma_wait3A_391 : memref<35651584xf32, #tpu.memory_space<hbm>>) dst(%arg16 : memref<80xf32, #tpu.memory_space<vmem>>)
    %get3A_392 = arith.constant 0 : index
    %get3A_393 = tpu.vector_load %arg13[%get3A_392] {strides = array<i32>} : memref<80xf32, #tpu.memory_space<vmem>>, vector<16xf32>,
    %get3A_394 = vector.shape_cast %get3A_393 : vector<16xf32> to vector<16xf32>
    %get3A_395 = arith.constant 0 : index
    %get3A_396 = tpu.vector_load %arg14[%get3A_395] {strides = array<i32>} : memref<80xf32, #tpu.memory_space<vmem>>, vector<16xf32>,
    %get3A_397 = vector.shape_cast %get3A_396 : vector<16xf32> to vector<16xf32>
    %get3A_398 = arith.constant 0 : index
    %get3A_399 = tpu.vector_load %arg15[%get3A_398] {strides = array<i32>} : memref<80xf32, #tpu.memory_space<vmem>>, vector<16xf32>,
    %get3A_400 = vector.shape_cast %get3A_399 : vector<16xf32> to vector<16xf32>
    %get3A_401 = arith.constant 0 : index
    %get3A_402 = tpu.vector_load %arg16[%get3A_401] {strides = array<i32>} : memref<80xf32, #tpu.memory_space<vmem>>, vector<16xf32>,
    %get3A_403 = vector.shape_cast %get3A_402 : vector<16xf32> to vector<16xf32>
    %get3A_404 = arith.constant 0 : index
    %get3A_405 = tpu.vector_load %arg7[%get3A_404] {strides = array<i32>} : memref<80xi32, #tpu.memory_space<vmem>>, vector<16xi32>,
    %get3A_406 = vector.shape_cast %get3A_405 : vector<16xi32> to vector<16xi32>
    %shift_right_logical3A_407 = arith.constant 7 : i32
    %shift_right_logical3A_408 = vector.broadcast %shift_right_logical3A_407 : i32 to vector<16xi32>
    %shift_right_logical3A_409 = arith.shrui %get3A_406, %shift_right_logical3A_408 : vector<16xi32>
    %and3A_410 = arith.constant 127 : i32
    %and3A_411 = vector.broadcast %and3A_410 : i32 to vector<16xi32>
    %and3A_412 = arith.andi %get3A_406, %and3A_411 : vector<16xi32>
    %get3A_413 = arith.constant 0 : index
    %get3A_414 = tpu.vector_load %arg8[%get3A_413] {strides = array<i32>} : memref<80xf32, #tpu.memory_space<vmem>>, vector<16xf32>,
    %get3A_415 = vector.shape_cast %get3A_414 : vector<16xf32> to vector<16xf32>
    %gt3A = arith.constant 0.000000e+00 : f32
    %gt3A_416 = vector.broadcast %gt3A : f32 to vector<16xf32>
    %gt3A_417 = arith.cmpf ogt, %get3A_415, %gt3A_416 : vector<16xf32>
    %convert_element_type3A = arith.sitofp %and3A_412 : vector<16xi32> to vector<16xf32>
    %jit3A = arith.constant 0.000000e+00 : f32
    %broadcast_in_dim3A = vector.broadcast %jit3A : f32 to vector<16xf32>
    %select_n3A = arith.select %gt3A_417, %convert_element_type3A, %broadcast_in_dim3A : vector<16xi1>, vector<16xf32>
    %convert_element_type3A_418 = arith.sitofp %shift_right_logical3A_409 : vector<16xi32> to vector<16xf32>
    %jit3A_419 = arith.constant 0.000000e+00 : f32
    %broadcast_in_dim3A_420 = vector.broadcast %jit3A_419 : f32 to vector<16xf32>
    %select_n3A_421 = arith.select %gt3A_417, %convert_element_type3A_418, %broadcast_in_dim3A_420 : vector<16xi1>, vector<16xf32>
    %gt3A_422 = arith.constant 0 : i32
    %gt3A_423 = vector.broadcast %gt3A_422 : i32 to vector<16xi32>
    %gt3A_424 = arith.cmpi sgt, %and3A_412, %gt3A_423 : vector<16xi32>
    %and3A_425 = arith.andi %gt3A_417, %gt3A_424 : vector<16xi1>
    %lt3A = arith.constant 127 : i32
    %lt3A_426 = vector.broadcast %lt3A : i32 to vector<16xi32>
    %lt3A_427 = arith.cmpi slt, %and3A_412, %lt3A_426 : vector<16xi32>
    %and3A_428 = arith.andi %and3A_425, %lt3A_427 : vector<16xi1>
    %gt3A_429 = arith.constant 0 : i32
    %gt3A_430 = vector.broadcast %gt3A_429 : i32 to vector<16xi32>
    %gt3A_431 = arith.cmpi sgt, %shift_right_logical3A_409, %gt3A_430 : vector<16xi32>
    %and3A_432 = arith.andi %and3A_428, %gt3A_431 : vector<16xi1>
    %lt3A_433 = arith.constant 127 : i32
    %lt3A_434 = vector.broadcast %lt3A_433 : i32 to vector<16xi32>
    %lt3A_435 = arith.cmpi slt, %shift_right_logical3A_409, %lt3A_434 : vector<16xi32>
    %and3A_436 = arith.andi %and3A_432, %lt3A_435 : vector<16xi1>
    %sub3A_437 = arith.subf %get3A_397, %get3A_394 : vector<16xf32>
    %sign3A = tpu.bitcast %sub3A_437 : vector<16xf32> -> vector<16xi32>
    %sign3A_438 = arith.constant -2147483648 : i32
    %sign3A_439 = vector.broadcast %sign3A_438 : i32 to vector<16xi32>
    %sign3A_440 = arith.andi %sign3A, %sign3A_439 : vector<16xi32>
    %sign3A_441 = arith.constant 1065353216 : i32
    %sign3A_442 = vector.broadcast %sign3A_441 : i32 to vector<16xi32>
    %sign3A_443 = arith.ori %sign3A_442, %sign3A_440 : vector<16xi32>
    %sign3A_444 = tpu.bitcast %sign3A_443 : vector<16xi32> -> vector<16xf32>
    %sign3A_445 = math.absf %sub3A_437 : vector<16xf32>
    %sign3A_446 = arith.constant 0.000000e+00 : f32
    %sign3A_447 = vector.broadcast %sign3A_446 : f32 to vector<16xf32>
    %sign3A_448 = arith.cmpf ogt, %sign3A_445, %sign3A_447 : vector<16xf32>
    %sign3A_449 = arith.select %sign3A_448, %sign3A_444, %sub3A_437 : vector<16xi1>, vector<16xf32>
    %mul3A_450 = arith.constant 2.500000e-01 : f32
    %mul3A_451 = vector.broadcast %mul3A_450 : f32 to vector<16xf32>
    %mul3A_452 = arith.mulf %sign3A_449, %mul3A_451 : vector<16xf32>
    %sub3A_453 = arith.subf %get3A_403, %get3A_400 : vector<16xf32>
    %sign3A_454 = tpu.bitcast %sub3A_453 : vector<16xf32> -> vector<16xi32>
    %sign3A_455 = arith.constant -2147483648 : i32
    %sign3A_456 = vector.broadcast %sign3A_455 : i32 to vector<16xi32>
    %sign3A_457 = arith.andi %sign3A_454, %sign3A_456 : vector<16xi32>
    %sign3A_458 = arith.constant 1065353216 : i32
    %sign3A_459 = vector.broadcast %sign3A_458 : i32 to vector<16xi32>
    %sign3A_460 = arith.ori %sign3A_459, %sign3A_457 : vector<16xi32>
    %sign3A_461 = tpu.bitcast %sign3A_460 : vector<16xi32> -> vector<16xf32>
    %sign3A_462 = math.absf %sub3A_453 : vector<16xf32>
    %sign3A_463 = arith.constant 0.000000e+00 : f32
    %sign3A_464 = vector.broadcast %sign3A_463 : f32 to vector<16xf32>
    %sign3A_465 = arith.cmpf ogt, %sign3A_462, %sign3A_464 : vector<16xf32>
    %sign3A_466 = arith.select %sign3A_465, %sign3A_461, %sub3A_453 : vector<16xi1>, vector<16xf32>
    %mul3A_467 = arith.constant 2.500000e-01 : f32
    %mul3A_468 = vector.broadcast %mul3A_467 : f32 to vector<16xf32>
    %mul3A_469 = arith.mulf %sign3A_466, %mul3A_468 : vector<16xf32>
    %jit3A_470 = arith.constant 0.000000e+00 : f32
    %broadcast_in_dim3A_471 = vector.broadcast %jit3A_470 : f32 to vector<16xf32>
    %select_n3A_472 = arith.select %and3A_436, %mul3A_452, %broadcast_in_dim3A_471 : vector<16xi1>, vector<16xf32>
    %add3A_473 = arith.addf %select_n3A, %select_n3A_472 : vector<16xf32>
    %swap3A_474 = arith.constant 0 : index
    %swap3A_475 = tpu.vector_load %arg17[%swap3A_474] {strides = array<i32>} : memref<80xf32, #tpu.memory_space<vmem>>, vector<16xf32>,
    %swap3A_476 = vector.shape_cast %swap3A_475 : vector<16xf32> to vector<16xf32>
    %swap3A_477 = vector.shape_cast %add3A_473 : vector<16xf32> to vector<16xf32>
    tpu.vector_store %arg17[%swap3A_474], %swap3A_477 {strides = array<i32>} : memref<80xf32, #tpu.memory_space<vmem>>, vector<16xf32>,
    %jit3A_478 = arith.constant 0.000000e+00 : f32
    %broadcast_in_dim3A_479 = vector.broadcast %jit3A_478 : f32 to vector<16xf32>
    %select_n3A_480 = arith.select %and3A_436, %mul3A_469, %broadcast_in_dim3A_479 : vector<16xi1>, vector<16xf32>
    %add3A_481 = arith.addf %select_n3A_421, %select_n3A_480 : vector<16xf32>
    %swap3A_482 = arith.constant 0 : index
    %swap3A_483 = tpu.vector_load %arg18[%swap3A_482] {strides = array<i32>} : memref<80xf32, #tpu.memory_space<vmem>>, vector<16xf32>,
    %swap3A_484 = vector.shape_cast %swap3A_483 : vector<16xf32> to vector<16xf32>
    %swap3A_485 = vector.shape_cast %add3A_481 : vector<16xf32> to vector<16xf32>
    tpu.vector_store %arg18[%swap3A_482], %swap3A_485 {strides = array<i32>} : memref<80xf32, #tpu.memory_space<vmem>>, vector<16xf32>,
    %get3A_486 = arith.constant 16 : index
    %get3A_487 = tpu.vector_load %arg13[%get3A_486] {strides = array<i32>} : memref<80xf32, #tpu.memory_space<vmem>>, vector<16xf32>,
    %get3A_488 = vector.shape_cast %get3A_487 : vector<16xf32> to vector<16xf32>
    %get3A_489 = arith.constant 16 : index
    %get3A_490 = tpu.vector_load %arg14[%get3A_489] {strides = array<i32>} : memref<80xf32, #tpu.memory_space<vmem>>, vector<16xf32>,
    %get3A_491 = vector.shape_cast %get3A_490 : vector<16xf32> to vector<16xf32>
    %get3A_492 = arith.constant 16 : index
    %get3A_493 = tpu.vector_load %arg15[%get3A_492] {strides = array<i32>} : memref<80xf32, #tpu.memory_space<vmem>>, vector<16xf32>,
    %get3A_494 = vector.shape_cast %get3A_493 : vector<16xf32> to vector<16xf32>
    %get3A_495 = arith.constant 16 : index
    %get3A_496 = tpu.vector_load %arg16[%get3A_495] {strides = array<i32>} : memref<80xf32, #tpu.memory_space<vmem>>, vector<16xf32>,
    %get3A_497 = vector.shape_cast %get3A_496 : vector<16xf32> to vector<16xf32>
    %get3A_498 = arith.constant 16 : index
    %get3A_499 = tpu.vector_load %arg7[%get3A_498] {strides = array<i32>} : memref<80xi32, #tpu.memory_space<vmem>>, vector<16xi32>,
    %get3A_500 = vector.shape_cast %get3A_499 : vector<16xi32> to vector<16xi32>
    %shift_right_logical3A_501 = arith.constant 7 : i32
    %shift_right_logical3A_502 = vector.broadcast %shift_right_logical3A_501 : i32 to vector<16xi32>
    %shift_right_logical3A_503 = arith.shrui %get3A_500, %shift_right_logical3A_502 : vector<16xi32>
    %and3A_504 = arith.constant 127 : i32
    %and3A_505 = vector.broadcast %and3A_504 : i32 to vector<16xi32>
    %and3A_506 = arith.andi %get3A_500, %and3A_505 : vector<16xi32>
    %get3A_507 = arith.constant 16 : index
    %get3A_508 = tpu.vector_load %arg8[%get3A_507] {strides = array<i32>} : memref<80xf32, #tpu.memory_space<vmem>>, vector<16xf32>,
    %get3A_509 = vector.shape_cast %get3A_508 : vector<16xf32> to vector<16xf32>
    %gt3A_510 = arith.constant 0.000000e+00 : f32
    %gt3A_511 = vector.broadcast %gt3A_510 : f32 to vector<16xf32>
    %gt3A_512 = arith.cmpf ogt, %get3A_509, %gt3A_511 : vector<16xf32>
    %convert_element_type3A_513 = arith.sitofp %and3A_506 : vector<16xi32> to vector<16xf32>
    %jit3A_514 = arith.constant 0.000000e+00 : f32
    %broadcast_in_dim3A_515 = vector.broadcast %jit3A_514 : f32 to vector<16xf32>
    %select_n3A_516 = arith.select %gt3A_512, %convert_element_type3A_513, %broadcast_in_dim3A_515 : vector<16xi1>, vector<16xf32>
    %convert_element_type3A_517 = arith.sitofp %shift_right_logical3A_503 : vector<16xi32> to vector<16xf32>
    %jit3A_518 = arith.constant 0.000000e+00 : f32
    %broadcast_in_dim3A_519 = vector.broadcast %jit3A_518 : f32 to vector<16xf32>
    %select_n3A_520 = arith.select %gt3A_512, %convert_element_type3A_517, %broadcast_in_dim3A_519 : vector<16xi1>, vector<16xf32>
    %gt3A_521 = arith.constant 0 : i32
    %gt3A_522 = vector.broadcast %gt3A_521 : i32 to vector<16xi32>
    %gt3A_523 = arith.cmpi sgt, %and3A_506, %gt3A_522 : vector<16xi32>
    %and3A_524 = arith.andi %gt3A_512, %gt3A_523 : vector<16xi1>
    %lt3A_525 = arith.constant 127 : i32
    %lt3A_526 = vector.broadcast %lt3A_525 : i32 to vector<16xi32>
    %lt3A_527 = arith.cmpi slt, %and3A_506, %lt3A_526 : vector<16xi32>
    %and3A_528 = arith.andi %and3A_524, %lt3A_527 : vector<16xi1>
    %gt3A_529 = arith.constant 0 : i32
    %gt3A_530 = vector.broadcast %gt3A_529 : i32 to vector<16xi32>
    %gt3A_531 = arith.cmpi sgt, %shift_right_logical3A_503, %gt3A_530 : vector<16xi32>
    %and3A_532 = arith.andi %and3A_528, %gt3A_531 : vector<16xi1>
    %lt3A_533 = arith.constant 127 : i32
    %lt3A_534 = vector.broadcast %lt3A_533 : i32 to vector<16xi32>
    %lt3A_535 = arith.cmpi slt, %shift_right_logical3A_503, %lt3A_534 : vector<16xi32>
    %and3A_536 = arith.andi %and3A_532, %lt3A_535 : vector<16xi1>
    %sub3A_537 = arith.subf %get3A_491, %get3A_488 : vector<16xf32>
    %sign3A_538 = tpu.bitcast %sub3A_537 : vector<16xf32> -> vector<16xi32>
    %sign3A_539 = arith.constant -2147483648 : i32
    %sign3A_540 = vector.broadcast %sign3A_539 : i32 to vector<16xi32>
    %sign3A_541 = arith.andi %sign3A_538, %sign3A_540 : vector<16xi32>
    %sign3A_542 = arith.constant 1065353216 : i32
    %sign3A_543 = vector.broadcast %sign3A_542 : i32 to vector<16xi32>
    %sign3A_544 = arith.ori %sign3A_543, %sign3A_541 : vector<16xi32>
    %sign3A_545 = tpu.bitcast %sign3A_544 : vector<16xi32> -> vector<16xf32>
    %sign3A_546 = math.absf %sub3A_537 : vector<16xf32>
    %sign3A_547 = arith.constant 0.000000e+00 : f32
    %sign3A_548 = vector.broadcast %sign3A_547 : f32 to vector<16xf32>
    %sign3A_549 = arith.cmpf ogt, %sign3A_546, %sign3A_548 : vector<16xf32>
    %sign3A_550 = arith.select %sign3A_549, %sign3A_545, %sub3A_537 : vector<16xi1>, vector<16xf32>
    %mul3A_551 = arith.constant 2.500000e-01 : f32
    %mul3A_552 = vector.broadcast %mul3A_551 : f32 to vector<16xf32>
    %mul3A_553 = arith.mulf %sign3A_550, %mul3A_552 : vector<16xf32>
    %sub3A_554 = arith.subf %get3A_497, %get3A_494 : vector<16xf32>
    %sign3A_555 = tpu.bitcast %sub3A_554 : vector<16xf32> -> vector<16xi32>
    %sign3A_556 = arith.constant -2147483648 : i32
    %sign3A_557 = vector.broadcast %sign3A_556 : i32 to vector<16xi32>
    %sign3A_558 = arith.andi %sign3A_555, %sign3A_557 : vector<16xi32>
    %sign3A_559 = arith.constant 1065353216 : i32
    %sign3A_560 = vector.broadcast %sign3A_559 : i32 to vector<16xi32>
    %sign3A_561 = arith.ori %sign3A_560, %sign3A_558 : vector<16xi32>
    %sign3A_562 = tpu.bitcast %sign3A_561 : vector<16xi32> -> vector<16xf32>
    %sign3A_563 = math.absf %sub3A_554 : vector<16xf32>
    %sign3A_564 = arith.constant 0.000000e+00 : f32
    %sign3A_565 = vector.broadcast %sign3A_564 : f32 to vector<16xf32>
    %sign3A_566 = arith.cmpf ogt, %sign3A_563, %sign3A_565 : vector<16xf32>
    %sign3A_567 = arith.select %sign3A_566, %sign3A_562, %sub3A_554 : vector<16xi1>, vector<16xf32>
    %mul3A_568 = arith.constant 2.500000e-01 : f32
    %mul3A_569 = vector.broadcast %mul3A_568 : f32 to vector<16xf32>
    %mul3A_570 = arith.mulf %sign3A_567, %mul3A_569 : vector<16xf32>
    %jit3A_571 = arith.constant 0.000000e+00 : f32
    %broadcast_in_dim3A_572 = vector.broadcast %jit3A_571 : f32 to vector<16xf32>
    %select_n3A_573 = arith.select %and3A_536, %mul3A_553, %broadcast_in_dim3A_572 : vector<16xi1>, vector<16xf32>
    %add3A_574 = arith.addf %select_n3A_516, %select_n3A_573 : vector<16xf32>
    %swap3A_575 = arith.constant 16 : index
    %swap3A_576 = tpu.vector_load %arg17[%swap3A_575] {strides = array<i32>} : memref<80xf32, #tpu.memory_space<vmem>>, vector<16xf32>,
    %swap3A_577 = vector.shape_cast %swap3A_576 : vector<16xf32> to vector<16xf32>
    %swap3A_578 = vector.shape_cast %add3A_574 : vector<16xf32> to vector<16xf32>
    tpu.vector_store %arg17[%swap3A_575], %swap3A_578 {strides = array<i32>} : memref<80xf32, #tpu.memory_space<vmem>>, vector<16xf32>,
    %jit3A_579 = arith.constant 0.000000e+00 : f32
    %broadcast_in_dim3A_580 = vector.broadcast %jit3A_579 : f32 to vector<16xf32>
    %select_n3A_581 = arith.select %and3A_536, %mul3A_570, %broadcast_in_dim3A_580 : vector<16xi1>, vector<16xf32>
    %add3A_582 = arith.addf %select_n3A_520, %select_n3A_581 : vector<16xf32>
    %swap3A_583 = arith.constant 16 : index
    %swap3A_584 = tpu.vector_load %arg18[%swap3A_583] {strides = array<i32>} : memref<80xf32, #tpu.memory_space<vmem>>, vector<16xf32>,
    %swap3A_585 = vector.shape_cast %swap3A_584 : vector<16xf32> to vector<16xf32>
    %swap3A_586 = vector.shape_cast %add3A_582 : vector<16xf32> to vector<16xf32>
    tpu.vector_store %arg18[%swap3A_583], %swap3A_586 {strides = array<i32>} : memref<80xf32, #tpu.memory_space<vmem>>, vector<16xf32>,
    %get3A_587 = arith.constant 32 : index
    %get3A_588 = tpu.vector_load %arg13[%get3A_587] {strides = array<i32>} : memref<80xf32, #tpu.memory_space<vmem>>, vector<16xf32>,
    %get3A_589 = vector.shape_cast %get3A_588 : vector<16xf32> to vector<16xf32>
    %get3A_590 = arith.constant 32 : index
    %get3A_591 = tpu.vector_load %arg14[%get3A_590] {strides = array<i32>} : memref<80xf32, #tpu.memory_space<vmem>>, vector<16xf32>,
    %get3A_592 = vector.shape_cast %get3A_591 : vector<16xf32> to vector<16xf32>
    %get3A_593 = arith.constant 32 : index
    %get3A_594 = tpu.vector_load %arg15[%get3A_593] {strides = array<i32>} : memref<80xf32, #tpu.memory_space<vmem>>, vector<16xf32>,
    %get3A_595 = vector.shape_cast %get3A_594 : vector<16xf32> to vector<16xf32>
    %get3A_596 = arith.constant 32 : index
    %get3A_597 = tpu.vector_load %arg16[%get3A_596] {strides = array<i32>} : memref<80xf32, #tpu.memory_space<vmem>>, vector<16xf32>,
    %get3A_598 = vector.shape_cast %get3A_597 : vector<16xf32> to vector<16xf32>
    %get3A_599 = arith.constant 32 : index
    %get3A_600 = tpu.vector_load %arg7[%get3A_599] {strides = array<i32>} : memref<80xi32, #tpu.memory_space<vmem>>, vector<16xi32>,
    %get3A_601 = vector.shape_cast %get3A_600 : vector<16xi32> to vector<16xi32>
    %shift_right_logical3A_602 = arith.constant 7 : i32
    %shift_right_logical3A_603 = vector.broadcast %shift_right_logical3A_602 : i32 to vector<16xi32>
    %shift_right_logical3A_604 = arith.shrui %get3A_601, %shift_right_logical3A_603 : vector<16xi32>
    %and3A_605 = arith.constant 127 : i32
    %and3A_606 = vector.broadcast %and3A_605 : i32 to vector<16xi32>
    %and3A_607 = arith.andi %get3A_601, %and3A_606 : vector<16xi32>
    %get3A_608 = arith.constant 32 : index
    %get3A_609 = tpu.vector_load %arg8[%get3A_608] {strides = array<i32>} : memref<80xf32, #tpu.memory_space<vmem>>, vector<16xf32>,
    %get3A_610 = vector.shape_cast %get3A_609 : vector<16xf32> to vector<16xf32>
    %gt3A_611 = arith.constant 0.000000e+00 : f32
    %gt3A_612 = vector.broadcast %gt3A_611 : f32 to vector<16xf32>
    %gt3A_613 = arith.cmpf ogt, %get3A_610, %gt3A_612 : vector<16xf32>
    %convert_element_type3A_614 = arith.sitofp %and3A_607 : vector<16xi32> to vector<16xf32>
    %jit3A_615 = arith.constant 0.000000e+00 : f32
    %broadcast_in_dim3A_616 = vector.broadcast %jit3A_615 : f32 to vector<16xf32>
    %select_n3A_617 = arith.select %gt3A_613, %convert_element_type3A_614, %broadcast_in_dim3A_616 : vector<16xi1>, vector<16xf32>
    %convert_element_type3A_618 = arith.sitofp %shift_right_logical3A_604 : vector<16xi32> to vector<16xf32>
    %jit3A_619 = arith.constant 0.000000e+00 : f32
    %broadcast_in_dim3A_620 = vector.broadcast %jit3A_619 : f32 to vector<16xf32>
    %select_n3A_621 = arith.select %gt3A_613, %convert_element_type3A_618, %broadcast_in_dim3A_620 : vector<16xi1>, vector<16xf32>
    %gt3A_622 = arith.constant 0 : i32
    %gt3A_623 = vector.broadcast %gt3A_622 : i32 to vector<16xi32>
    %gt3A_624 = arith.cmpi sgt, %and3A_607, %gt3A_623 : vector<16xi32>
    %and3A_625 = arith.andi %gt3A_613, %gt3A_624 : vector<16xi1>
    %lt3A_626 = arith.constant 127 : i32
    %lt3A_627 = vector.broadcast %lt3A_626 : i32 to vector<16xi32>
    %lt3A_628 = arith.cmpi slt, %and3A_607, %lt3A_627 : vector<16xi32>
    %and3A_629 = arith.andi %and3A_625, %lt3A_628 : vector<16xi1>
    %gt3A_630 = arith.constant 0 : i32
    %gt3A_631 = vector.broadcast %gt3A_630 : i32 to vector<16xi32>
    %gt3A_632 = arith.cmpi sgt, %shift_right_logical3A_604, %gt3A_631 : vector<16xi32>
    %and3A_633 = arith.andi %and3A_629, %gt3A_632 : vector<16xi1>
    %lt3A_634 = arith.constant 127 : i32
    %lt3A_635 = vector.broadcast %lt3A_634 : i32 to vector<16xi32>
    %lt3A_636 = arith.cmpi slt, %shift_right_logical3A_604, %lt3A_635 : vector<16xi32>
    %and3A_637 = arith.andi %and3A_633, %lt3A_636 : vector<16xi1>
    %sub3A_638 = arith.subf %get3A_592, %get3A_589 : vector<16xf32>
    %sign3A_639 = tpu.bitcast %sub3A_638 : vector<16xf32> -> vector<16xi32>
    %sign3A_640 = arith.constant -2147483648 : i32
    %sign3A_641 = vector.broadcast %sign3A_640 : i32 to vector<16xi32>
    %sign3A_642 = arith.andi %sign3A_639, %sign3A_641 : vector<16xi32>
    %sign3A_643 = arith.constant 1065353216 : i32
    %sign3A_644 = vector.broadcast %sign3A_643 : i32 to vector<16xi32>
    %sign3A_645 = arith.ori %sign3A_644, %sign3A_642 : vector<16xi32>
    %sign3A_646 = tpu.bitcast %sign3A_645 : vector<16xi32> -> vector<16xf32>
    %sign3A_647 = math.absf %sub3A_638 : vector<16xf32>
    %sign3A_648 = arith.constant 0.000000e+00 : f32
    %sign3A_649 = vector.broadcast %sign3A_648 : f32 to vector<16xf32>
    %sign3A_650 = arith.cmpf ogt, %sign3A_647, %sign3A_649 : vector<16xf32>
    %sign3A_651 = arith.select %sign3A_650, %sign3A_646, %sub3A_638 : vector<16xi1>, vector<16xf32>
    %mul3A_652 = arith.constant 2.500000e-01 : f32
    %mul3A_653 = vector.broadcast %mul3A_652 : f32 to vector<16xf32>
    %mul3A_654 = arith.mulf %sign3A_651, %mul3A_653 : vector<16xf32>
    %sub3A_655 = arith.subf %get3A_598, %get3A_595 : vector<16xf32>
    %sign3A_656 = tpu.bitcast %sub3A_655 : vector<16xf32> -> vector<16xi32>
    %sign3A_657 = arith.constant -2147483648 : i32
    %sign3A_658 = vector.broadcast %sign3A_657 : i32 to vector<16xi32>
    %sign3A_659 = arith.andi %sign3A_656, %sign3A_658 : vector<16xi32>
    %sign3A_660 = arith.constant 1065353216 : i32
    %sign3A_661 = vector.broadcast %sign3A_660 : i32 to vector<16xi32>
    %sign3A_662 = arith.ori %sign3A_661, %sign3A_659 : vector<16xi32>
    %sign3A_663 = tpu.bitcast %sign3A_662 : vector<16xi32> -> vector<16xf32>
    %sign3A_664 = math.absf %sub3A_655 : vector<16xf32>
    %sign3A_665 = arith.constant 0.000000e+00 : f32
    %sign3A_666 = vector.broadcast %sign3A_665 : f32 to vector<16xf32>
    %sign3A_667 = arith.cmpf ogt, %sign3A_664, %sign3A_666 : vector<16xf32>
    %sign3A_668 = arith.select %sign3A_667, %sign3A_663, %sub3A_655 : vector<16xi1>, vector<16xf32>
    %mul3A_669 = arith.constant 2.500000e-01 : f32
    %mul3A_670 = vector.broadcast %mul3A_669 : f32 to vector<16xf32>
    %mul3A_671 = arith.mulf %sign3A_668, %mul3A_670 : vector<16xf32>
    %jit3A_672 = arith.constant 0.000000e+00 : f32
    %broadcast_in_dim3A_673 = vector.broadcast %jit3A_672 : f32 to vector<16xf32>
    %select_n3A_674 = arith.select %and3A_637, %mul3A_654, %broadcast_in_dim3A_673 : vector<16xi1>, vector<16xf32>
    %add3A_675 = arith.addf %select_n3A_617, %select_n3A_674 : vector<16xf32>
    %swap3A_676 = arith.constant 32 : index
    %swap3A_677 = tpu.vector_load %arg17[%swap3A_676] {strides = array<i32>} : memref<80xf32, #tpu.memory_space<vmem>>, vector<16xf32>,
    %swap3A_678 = vector.shape_cast %swap3A_677 : vector<16xf32> to vector<16xf32>
    %swap3A_679 = vector.shape_cast %add3A_675 : vector<16xf32> to vector<16xf32>
    tpu.vector_store %arg17[%swap3A_676], %swap3A_679 {strides = array<i32>} : memref<80xf32, #tpu.memory_space<vmem>>, vector<16xf32>,
    %jit3A_680 = arith.constant 0.000000e+00 : f32
    %broadcast_in_dim3A_681 = vector.broadcast %jit3A_680 : f32 to vector<16xf32>
    %select_n3A_682 = arith.select %and3A_637, %mul3A_671, %broadcast_in_dim3A_681 : vector<16xi1>, vector<16xf32>
    %add3A_683 = arith.addf %select_n3A_621, %select_n3A_682 : vector<16xf32>
    %swap3A_684 = arith.constant 32 : index
    %swap3A_685 = tpu.vector_load %arg18[%swap3A_684] {strides = array<i32>} : memref<80xf32, #tpu.memory_space<vmem>>, vector<16xf32>,
    %swap3A_686 = vector.shape_cast %swap3A_685 : vector<16xf32> to vector<16xf32>
    %swap3A_687 = vector.shape_cast %add3A_683 : vector<16xf32> to vector<16xf32>
    tpu.vector_store %arg18[%swap3A_684], %swap3A_687 {strides = array<i32>} : memref<80xf32, #tpu.memory_space<vmem>>, vector<16xf32>,
    %get3A_688 = arith.constant 48 : index
    %get3A_689 = tpu.vector_load %arg13[%get3A_688] {strides = array<i32>} : memref<80xf32, #tpu.memory_space<vmem>>, vector<16xf32>,
    %get3A_690 = vector.shape_cast %get3A_689 : vector<16xf32> to vector<16xf32>
    %get3A_691 = arith.constant 48 : index
    %get3A_692 = tpu.vector_load %arg14[%get3A_691] {strides = array<i32>} : memref<80xf32, #tpu.memory_space<vmem>>, vector<16xf32>,
    %get3A_693 = vector.shape_cast %get3A_692 : vector<16xf32> to vector<16xf32>
    %get3A_694 = arith.constant 48 : index
    %get3A_695 = tpu.vector_load %arg15[%get3A_694] {strides = array<i32>} : memref<80xf32, #tpu.memory_space<vmem>>, vector<16xf32>,
    %get3A_696 = vector.shape_cast %get3A_695 : vector<16xf32> to vector<16xf32>
    %get3A_697 = arith.constant 48 : index
    %get3A_698 = tpu.vector_load %arg16[%get3A_697] {strides = array<i32>} : memref<80xf32, #tpu.memory_space<vmem>>, vector<16xf32>,
    %get3A_699 = vector.shape_cast %get3A_698 : vector<16xf32> to vector<16xf32>
    %get3A_700 = arith.constant 48 : index
    %get3A_701 = tpu.vector_load %arg7[%get3A_700] {strides = array<i32>} : memref<80xi32, #tpu.memory_space<vmem>>, vector<16xi32>,
    %get3A_702 = vector.shape_cast %get3A_701 : vector<16xi32> to vector<16xi32>
    %shift_right_logical3A_703 = arith.constant 7 : i32
    %shift_right_logical3A_704 = vector.broadcast %shift_right_logical3A_703 : i32 to vector<16xi32>
    %shift_right_logical3A_705 = arith.shrui %get3A_702, %shift_right_logical3A_704 : vector<16xi32>
    %and3A_706 = arith.constant 127 : i32
    %and3A_707 = vector.broadcast %and3A_706 : i32 to vector<16xi32>
    %and3A_708 = arith.andi %get3A_702, %and3A_707 : vector<16xi32>
    %get3A_709 = arith.constant 48 : index
    %get3A_710 = tpu.vector_load %arg8[%get3A_709] {strides = array<i32>} : memref<80xf32, #tpu.memory_space<vmem>>, vector<16xf32>,
    %get3A_711 = vector.shape_cast %get3A_710 : vector<16xf32> to vector<16xf32>
    %gt3A_712 = arith.constant 0.000000e+00 : f32
    %gt3A_713 = vector.broadcast %gt3A_712 : f32 to vector<16xf32>
    %gt3A_714 = arith.cmpf ogt, %get3A_711, %gt3A_713 : vector<16xf32>
    %convert_element_type3A_715 = arith.sitofp %and3A_708 : vector<16xi32> to vector<16xf32>
    %jit3A_716 = arith.constant 0.000000e+00 : f32
    %broadcast_in_dim3A_717 = vector.broadcast %jit3A_716 : f32 to vector<16xf32>
    %select_n3A_718 = arith.select %gt3A_714, %convert_element_type3A_715, %broadcast_in_dim3A_717 : vector<16xi1>, vector<16xf32>
    %convert_element_type3A_719 = arith.sitofp %shift_right_logical3A_705 : vector<16xi32> to vector<16xf32>
    %jit3A_720 = arith.constant 0.000000e+00 : f32
    %broadcast_in_dim3A_721 = vector.broadcast %jit3A_720 : f32 to vector<16xf32>
    %select_n3A_722 = arith.select %gt3A_714, %convert_element_type3A_719, %broadcast_in_dim3A_721 : vector<16xi1>, vector<16xf32>
    %gt3A_723 = arith.constant 0 : i32
    %gt3A_724 = vector.broadcast %gt3A_723 : i32 to vector<16xi32>
    %gt3A_725 = arith.cmpi sgt, %and3A_708, %gt3A_724 : vector<16xi32>
    %and3A_726 = arith.andi %gt3A_714, %gt3A_725 : vector<16xi1>
    %lt3A_727 = arith.constant 127 : i32
    %lt3A_728 = vector.broadcast %lt3A_727 : i32 to vector<16xi32>
    %lt3A_729 = arith.cmpi slt, %and3A_708, %lt3A_728 : vector<16xi32>
    %and3A_730 = arith.andi %and3A_726, %lt3A_729 : vector<16xi1>
    %gt3A_731 = arith.constant 0 : i32
    %gt3A_732 = vector.broadcast %gt3A_731 : i32 to vector<16xi32>
    %gt3A_733 = arith.cmpi sgt, %shift_right_logical3A_705, %gt3A_732 : vector<16xi32>
    %and3A_734 = arith.andi %and3A_730, %gt3A_733 : vector<16xi1>
    %lt3A_735 = arith.constant 127 : i32
    %lt3A_736 = vector.broadcast %lt3A_735 : i32 to vector<16xi32>
    %lt3A_737 = arith.cmpi slt, %shift_right_logical3A_705, %lt3A_736 : vector<16xi32>
    %and3A_738 = arith.andi %and3A_734, %lt3A_737 : vector<16xi1>
    %sub3A_739 = arith.subf %get3A_693, %get3A_690 : vector<16xf32>
    %sign3A_740 = tpu.bitcast %sub3A_739 : vector<16xf32> -> vector<16xi32>
    %sign3A_741 = arith.constant -2147483648 : i32
    %sign3A_742 = vector.broadcast %sign3A_741 : i32 to vector<16xi32>
    %sign3A_743 = arith.andi %sign3A_740, %sign3A_742 : vector<16xi32>
    %sign3A_744 = arith.constant 1065353216 : i32
    %sign3A_745 = vector.broadcast %sign3A_744 : i32 to vector<16xi32>
    %sign3A_746 = arith.ori %sign3A_745, %sign3A_743 : vector<16xi32>
    %sign3A_747 = tpu.bitcast %sign3A_746 : vector<16xi32> -> vector<16xf32>
    %sign3A_748 = math.absf %sub3A_739 : vector<16xf32>
    %sign3A_749 = arith.constant 0.000000e+00 : f32
    %sign3A_750 = vector.broadcast %sign3A_749 : f32 to vector<16xf32>
    %sign3A_751 = arith.cmpf ogt, %sign3A_748, %sign3A_750 : vector<16xf32>
    %sign3A_752 = arith.select %sign3A_751, %sign3A_747, %sub3A_739 : vector<16xi1>, vector<16xf32>
    %mul3A_753 = arith.constant 2.500000e-01 : f32
    %mul3A_754 = vector.broadcast %mul3A_753 : f32 to vector<16xf32>
    %mul3A_755 = arith.mulf %sign3A_752, %mul3A_754 : vector<16xf32>
    %sub3A_756 = arith.subf %get3A_699, %get3A_696 : vector<16xf32>
    %sign3A_757 = tpu.bitcast %sub3A_756 : vector<16xf32> -> vector<16xi32>
    %sign3A_758 = arith.constant -2147483648 : i32
    %sign3A_759 = vector.broadcast %sign3A_758 : i32 to vector<16xi32>
    %sign3A_760 = arith.andi %sign3A_757, %sign3A_759 : vector<16xi32>
    %sign3A_761 = arith.constant 1065353216 : i32
    %sign3A_762 = vector.broadcast %sign3A_761 : i32 to vector<16xi32>
    %sign3A_763 = arith.ori %sign3A_762, %sign3A_760 : vector<16xi32>
    %sign3A_764 = tpu.bitcast %sign3A_763 : vector<16xi32> -> vector<16xf32>
    %sign3A_765 = math.absf %sub3A_756 : vector<16xf32>
    %sign3A_766 = arith.constant 0.000000e+00 : f32
    %sign3A_767 = vector.broadcast %sign3A_766 : f32 to vector<16xf32>
    %sign3A_768 = arith.cmpf ogt, %sign3A_765, %sign3A_767 : vector<16xf32>
    %sign3A_769 = arith.select %sign3A_768, %sign3A_764, %sub3A_756 : vector<16xi1>, vector<16xf32>
    %mul3A_770 = arith.constant 2.500000e-01 : f32
    %mul3A_771 = vector.broadcast %mul3A_770 : f32 to vector<16xf32>
    %mul3A_772 = arith.mulf %sign3A_769, %mul3A_771 : vector<16xf32>
    %jit3A_773 = arith.constant 0.000000e+00 : f32
    %broadcast_in_dim3A_774 = vector.broadcast %jit3A_773 : f32 to vector<16xf32>
    %select_n3A_775 = arith.select %and3A_738, %mul3A_755, %broadcast_in_dim3A_774 : vector<16xi1>, vector<16xf32>
    %add3A_776 = arith.addf %select_n3A_718, %select_n3A_775 : vector<16xf32>
    %swap3A_777 = arith.constant 48 : index
    %swap3A_778 = tpu.vector_load %arg17[%swap3A_777] {strides = array<i32>} : memref<80xf32, #tpu.memory_space<vmem>>, vector<16xf32>,
    %swap3A_779 = vector.shape_cast %swap3A_778 : vector<16xf32> to vector<16xf32>
    %swap3A_780 = vector.shape_cast %add3A_776 : vector<16xf32> to vector<16xf32>
    tpu.vector_store %arg17[%swap3A_777], %swap3A_780 {strides = array<i32>} : memref<80xf32, #tpu.memory_space<vmem>>, vector<16xf32>,
    %jit3A_781 = arith.constant 0.000000e+00 : f32
    %broadcast_in_dim3A_782 = vector.broadcast %jit3A_781 : f32 to vector<16xf32>
    %select_n3A_783 = arith.select %and3A_738, %mul3A_772, %broadcast_in_dim3A_782 : vector<16xi1>, vector<16xf32>
    %add3A_784 = arith.addf %select_n3A_722, %select_n3A_783 : vector<16xf32>
    %swap3A_785 = arith.constant 48 : index
    %swap3A_786 = tpu.vector_load %arg18[%swap3A_785] {strides = array<i32>} : memref<80xf32, #tpu.memory_space<vmem>>, vector<16xf32>,
    %swap3A_787 = vector.shape_cast %swap3A_786 : vector<16xf32> to vector<16xf32>
    %swap3A_788 = vector.shape_cast %add3A_784 : vector<16xf32> to vector<16xf32>
    tpu.vector_store %arg18[%swap3A_785], %swap3A_788 {strides = array<i32>} : memref<80xf32, #tpu.memory_space<vmem>>, vector<16xf32>,
    %get3A_789 = arith.constant 64 : index
    %get3A_790 = tpu.vector_load %arg13[%get3A_789] {strides = array<i32>} : memref<80xf32, #tpu.memory_space<vmem>>, vector<16xf32>,
    %get3A_791 = vector.shape_cast %get3A_790 : vector<16xf32> to vector<16xf32>
    %get3A_792 = arith.constant 64 : index
    %get3A_793 = tpu.vector_load %arg14[%get3A_792] {strides = array<i32>} : memref<80xf32, #tpu.memory_space<vmem>>, vector<16xf32>,
    %get3A_794 = vector.shape_cast %get3A_793 : vector<16xf32> to vector<16xf32>
    %get3A_795 = arith.constant 64 : index
    %get3A_796 = tpu.vector_load %arg15[%get3A_795] {strides = array<i32>} : memref<80xf32, #tpu.memory_space<vmem>>, vector<16xf32>,
    %get3A_797 = vector.shape_cast %get3A_796 : vector<16xf32> to vector<16xf32>
    %get3A_798 = arith.constant 64 : index
    %get3A_799 = tpu.vector_load %arg16[%get3A_798] {strides = array<i32>} : memref<80xf32, #tpu.memory_space<vmem>>, vector<16xf32>,
    %get3A_800 = vector.shape_cast %get3A_799 : vector<16xf32> to vector<16xf32>
    %get3A_801 = arith.constant 64 : index
    %get3A_802 = tpu.vector_load %arg7[%get3A_801] {strides = array<i32>} : memref<80xi32, #tpu.memory_space<vmem>>, vector<16xi32>,
    %get3A_803 = vector.shape_cast %get3A_802 : vector<16xi32> to vector<16xi32>
    %shift_right_logical3A_804 = arith.constant 7 : i32
    %shift_right_logical3A_805 = vector.broadcast %shift_right_logical3A_804 : i32 to vector<16xi32>
    %shift_right_logical3A_806 = arith.shrui %get3A_803, %shift_right_logical3A_805 : vector<16xi32>
    %and3A_807 = arith.constant 127 : i32
    %and3A_808 = vector.broadcast %and3A_807 : i32 to vector<16xi32>
    %and3A_809 = arith.andi %get3A_803, %and3A_808 : vector<16xi32>
    %get3A_810 = arith.constant 64 : index
    %get3A_811 = tpu.vector_load %arg8[%get3A_810] {strides = array<i32>} : memref<80xf32, #tpu.memory_space<vmem>>, vector<16xf32>,
    %get3A_812 = vector.shape_cast %get3A_811 : vector<16xf32> to vector<16xf32>
    %gt3A_813 = arith.constant 0.000000e+00 : f32
    %gt3A_814 = vector.broadcast %gt3A_813 : f32 to vector<16xf32>
    %gt3A_815 = arith.cmpf ogt, %get3A_812, %gt3A_814 : vector<16xf32>
    %convert_element_type3A_816 = arith.sitofp %and3A_809 : vector<16xi32> to vector<16xf32>
    %jit3A_817 = arith.constant 0.000000e+00 : f32
    %broadcast_in_dim3A_818 = vector.broadcast %jit3A_817 : f32 to vector<16xf32>
    %select_n3A_819 = arith.select %gt3A_815, %convert_element_type3A_816, %broadcast_in_dim3A_818 : vector<16xi1>, vector<16xf32>
    %convert_element_type3A_820 = arith.sitofp %shift_right_logical3A_806 : vector<16xi32> to vector<16xf32>
    %jit3A_821 = arith.constant 0.000000e+00 : f32
    %broadcast_in_dim3A_822 = vector.broadcast %jit3A_821 : f32 to vector<16xf32>
    %select_n3A_823 = arith.select %gt3A_815, %convert_element_type3A_820, %broadcast_in_dim3A_822 : vector<16xi1>, vector<16xf32>
    %gt3A_824 = arith.constant 0 : i32
    %gt3A_825 = vector.broadcast %gt3A_824 : i32 to vector<16xi32>
    %gt3A_826 = arith.cmpi sgt, %and3A_809, %gt3A_825 : vector<16xi32>
    %and3A_827 = arith.andi %gt3A_815, %gt3A_826 : vector<16xi1>
    %lt3A_828 = arith.constant 127 : i32
    %lt3A_829 = vector.broadcast %lt3A_828 : i32 to vector<16xi32>
    %lt3A_830 = arith.cmpi slt, %and3A_809, %lt3A_829 : vector<16xi32>
    %and3A_831 = arith.andi %and3A_827, %lt3A_830 : vector<16xi1>
    %gt3A_832 = arith.constant 0 : i32
    %gt3A_833 = vector.broadcast %gt3A_832 : i32 to vector<16xi32>
    %gt3A_834 = arith.cmpi sgt, %shift_right_logical3A_806, %gt3A_833 : vector<16xi32>
    %and3A_835 = arith.andi %and3A_831, %gt3A_834 : vector<16xi1>
    %lt3A_836 = arith.constant 127 : i32
    %lt3A_837 = vector.broadcast %lt3A_836 : i32 to vector<16xi32>
    %lt3A_838 = arith.cmpi slt, %shift_right_logical3A_806, %lt3A_837 : vector<16xi32>
    %and3A_839 = arith.andi %and3A_835, %lt3A_838 : vector<16xi1>
    %sub3A_840 = arith.subf %get3A_794, %get3A_791 : vector<16xf32>
    %sign3A_841 = tpu.bitcast %sub3A_840 : vector<16xf32> -> vector<16xi32>
    %sign3A_842 = arith.constant -2147483648 : i32
    %sign3A_843 = vector.broadcast %sign3A_842 : i32 to vector<16xi32>
    %sign3A_844 = arith.andi %sign3A_841, %sign3A_843 : vector<16xi32>
    %sign3A_845 = arith.constant 1065353216 : i32
    %sign3A_846 = vector.broadcast %sign3A_845 : i32 to vector<16xi32>
    %sign3A_847 = arith.ori %sign3A_846, %sign3A_844 : vector<16xi32>
    %sign3A_848 = tpu.bitcast %sign3A_847 : vector<16xi32> -> vector<16xf32>
    %sign3A_849 = math.absf %sub3A_840 : vector<16xf32>
    %sign3A_850 = arith.constant 0.000000e+00 : f32
    %sign3A_851 = vector.broadcast %sign3A_850 : f32 to vector<16xf32>
    %sign3A_852 = arith.cmpf ogt, %sign3A_849, %sign3A_851 : vector<16xf32>
    %sign3A_853 = arith.select %sign3A_852, %sign3A_848, %sub3A_840 : vector<16xi1>, vector<16xf32>
    %mul3A_854 = arith.constant 2.500000e-01 : f32
    %mul3A_855 = vector.broadcast %mul3A_854 : f32 to vector<16xf32>
    %mul3A_856 = arith.mulf %sign3A_853, %mul3A_855 : vector<16xf32>
    %sub3A_857 = arith.subf %get3A_800, %get3A_797 : vector<16xf32>
    %sign3A_858 = tpu.bitcast %sub3A_857 : vector<16xf32> -> vector<16xi32>
    %sign3A_859 = arith.constant -2147483648 : i32
    %sign3A_860 = vector.broadcast %sign3A_859 : i32 to vector<16xi32>
    %sign3A_861 = arith.andi %sign3A_858, %sign3A_860 : vector<16xi32>
    %sign3A_862 = arith.constant 1065353216 : i32
    %sign3A_863 = vector.broadcast %sign3A_862 : i32 to vector<16xi32>
    %sign3A_864 = arith.ori %sign3A_863, %sign3A_861 : vector<16xi32>
    %sign3A_865 = tpu.bitcast %sign3A_864 : vector<16xi32> -> vector<16xf32>
    %sign3A_866 = math.absf %sub3A_857 : vector<16xf32>
    %sign3A_867 = arith.constant 0.000000e+00 : f32
    %sign3A_868 = vector.broadcast %sign3A_867 : f32 to vector<16xf32>
    %sign3A_869 = arith.cmpf ogt, %sign3A_866, %sign3A_868 : vector<16xf32>
    %sign3A_870 = arith.select %sign3A_869, %sign3A_865, %sub3A_857 : vector<16xi1>, vector<16xf32>
    %mul3A_871 = arith.constant 2.500000e-01 : f32
    %mul3A_872 = vector.broadcast %mul3A_871 : f32 to vector<16xf32>
    %mul3A_873 = arith.mulf %sign3A_870, %mul3A_872 : vector<16xf32>
    %jit3A_874 = arith.constant 0.000000e+00 : f32
    %broadcast_in_dim3A_875 = vector.broadcast %jit3A_874 : f32 to vector<16xf32>
    %select_n3A_876 = arith.select %and3A_839, %mul3A_856, %broadcast_in_dim3A_875 : vector<16xi1>, vector<16xf32>
    %add3A_877 = arith.addf %select_n3A_819, %select_n3A_876 : vector<16xf32>
    %swap3A_878 = arith.constant 64 : index
    %swap3A_879 = tpu.vector_load %arg17[%swap3A_878] {strides = array<i32>} : memref<80xf32, #tpu.memory_space<vmem>>, vector<16xf32>,
    %swap3A_880 = vector.shape_cast %swap3A_879 : vector<16xf32> to vector<16xf32>
    %swap3A_881 = vector.shape_cast %add3A_877 : vector<16xf32> to vector<16xf32>
    tpu.vector_store %arg17[%swap3A_878], %swap3A_881 {strides = array<i32>} : memref<80xf32, #tpu.memory_space<vmem>>, vector<16xf32>,
    %jit3A_882 = arith.constant 0.000000e+00 : f32
    %broadcast_in_dim3A_883 = vector.broadcast %jit3A_882 : f32 to vector<16xf32>
    %select_n3A_884 = arith.select %and3A_839, %mul3A_873, %broadcast_in_dim3A_883 : vector<16xi1>, vector<16xf32>
    %add3A_885 = arith.addf %select_n3A_823, %select_n3A_884 : vector<16xf32>
    %swap3A_886 = arith.constant 64 : index
    %swap3A_887 = tpu.vector_load %arg18[%swap3A_886] {strides = array<i32>} : memref<80xf32, #tpu.memory_space<vmem>>, vector<16xf32>,
    %swap3A_888 = vector.shape_cast %swap3A_887 : vector<16xf32> to vector<16xf32>
    %swap3A_889 = vector.shape_cast %add3A_885 : vector<16xf32> to vector<16xf32>
    tpu.vector_store %arg18[%swap3A_886], %swap3A_889 {strides = array<i32>} : memref<80xf32, #tpu.memory_space<vmem>>, vector<16xf32>,
    "tpu.region"() ({
      %run_scoped3A = tpu.sem_alloc : memref<!tpu.dma_semaphore, #tpu.memory_space<semaphore_mem>>
      %dma_start3A_890 = tpu.memref_slice %arg5[%min3A_3] : memref<2176xf32, #tpu.memory_space<hbm>> -> memref<80xf32, #tpu.memory_space<hbm>>
      %dma_start3A_891 = tpu.memref_slice %arg5[%min3A_3] : memref<2176xf32, #tpu.memory_space<hbm>> -> memref<80xf32, #tpu.memory_space<hbm>>
      tpu.enqueue_dma source(%arg17 : memref<80xf32, #tpu.memory_space<vmem>>) target(%dma_start3A_891 : memref<80xf32, #tpu.memory_space<hbm>>) target_semaphore(%run_scoped3A : memref<!tpu.dma_semaphore, #tpu.memory_space<semaphore_mem>>)
      %dma_wait3A_892 = tpu.memref_slice %arg5[%min3A_3] : memref<2176xf32, #tpu.memory_space<hbm>> -> memref<80xf32, #tpu.memory_space<hbm>>
      %dma_wait3A_893 = tpu.memref_slice %arg5[%min3A_3] : memref<2176xf32, #tpu.memory_space<hbm>> -> memref<80xf32, #tpu.memory_space<hbm>>
      tpu.wait_dma2 semaphore(%run_scoped3A : memref<!tpu.dma_semaphore, #tpu.memory_space<semaphore_mem>>) src(%arg17 : memref<80xf32, #tpu.memory_space<vmem>>) dst(%dma_wait3A_893 : memref<80xf32, #tpu.memory_space<hbm>>)
      tpu.yield
    }) : () -> ()
    "tpu.region"() ({
      %run_scoped3A = tpu.sem_alloc : memref<!tpu.dma_semaphore, #tpu.memory_space<semaphore_mem>>
      %dma_start3A_890 = tpu.memref_slice %arg6[%min3A_3] : memref<2176xf32, #tpu.memory_space<hbm>> -> memref<80xf32, #tpu.memory_space<hbm>>
      %dma_start3A_891 = tpu.memref_slice %arg6[%min3A_3] : memref<2176xf32, #tpu.memory_space<hbm>> -> memref<80xf32, #tpu.memory_space<hbm>>
      tpu.enqueue_dma source(%arg18 : memref<80xf32, #tpu.memory_space<vmem>>) target(%dma_start3A_891 : memref<80xf32, #tpu.memory_space<hbm>>) target_semaphore(%run_scoped3A : memref<!tpu.dma_semaphore, #tpu.memory_space<semaphore_mem>>)
      %dma_wait3A_892 = tpu.memref_slice %arg6[%min3A_3] : memref<2176xf32, #tpu.memory_space<hbm>> -> memref<80xf32, #tpu.memory_space<hbm>>
      %dma_wait3A_893 = tpu.memref_slice %arg6[%min3A_3] : memref<2176xf32, #tpu.memory_space<hbm>> -> memref<80xf32, #tpu.memory_space<hbm>>
      tpu.wait_dma2 semaphore(%run_scoped3A : memref<!tpu.dma_semaphore, #tpu.memory_space<semaphore_mem>>) src(%arg18 : memref<80xf32, #tpu.memory_space<vmem>>) dst(%dma_wait3A_893 : memref<80xf32, #tpu.memory_space<hbm>>)
      tpu.yield
    }) : () -> ()
    return
  }
}

module attributes {stable_mosaic.version = 14 : i64} {
  func.func @_tc_kernel(%arg0: i32, %arg1: memref<8x17x128x128xf32, #tpu.memory_space<vmem>>, %arg2: memref<8x17x1xf32, #tpu.memory_space<vmem>>, %arg3: memref<8x17x1xi32, #tpu.memory_space<vmem>>) attributes {dimension_semantics = [#tpu.dimension_semantics<arbitrary>], iteration_bounds = array<i64: 16>, scalar_prefetch = 0 : i64, scratch_operands = 0 : i64, tpu.core_type = #tpu.core_type<tc>, window_params = [{transform_indices = @transform_0, window_bounds = array<i64: 8, 17, 128, 128>}, {transform_indices = @transform_1, window_bounds = array<i64: 8, 17, 1>}, {transform_indices = @transform_2, window_bounds = array<i64: 8, 17, 1>}]} {
    %get3A = arith.constant 0 : index
    %get3A_0 = arith.constant 0 : index
    %get3A_1 = arith.constant 0 : index
    %get3A_2 = arith.constant 0 : index
    %get3A_3 = vector.load %arg1[%get3A, %get3A_0, %get3A_1, %get3A_2] : memref<8x17x128x128xf32, #tpu.memory_space<vmem>>, vector<8x17x128x128xf32>
    %reshape3A = vector.shape_cast %get3A_3 : vector<8x17x128x128xf32> to vector<136x128x128xf32>
    %reduce_max3A = arith.constant dense<0xFF800000> : vector<136x128xf32>
    %reduce_max3A_4 = vector.multi_reduction <maximumf>, %reshape3A, %reduce_max3A [1] : vector<136x128x128xf32> to vector<136x128xf32>
    %reduce_max3A_5 = arith.constant dense<0xFF800000> : vector<136xf32>
    %reduce_max3A_6 = vector.multi_reduction <maximumf>, %reduce_max3A_4, %reduce_max3A_5 [1] : vector<136x128xf32> to vector<136xf32>
    %broadcast_in_dim3A = vector.shape_cast %reduce_max3A_6 : vector<136xf32> to vector<136x1xf32>
    %iota3A = tpu.iota {dimensions = array<i32: 1>} : vector<1x128x128xi32>
    %iota3A_7 = tpu.iota {dimensions = array<i32: 2>} : vector<1x128x128xi32>
    %mul3A = arith.constant 128 : i32
    %mul3A_8 = vector.broadcast %mul3A : i32 to vector<1x128x128xi32>
    %mul3A_9 = arith.muli %iota3A, %mul3A_8 : vector<1x128x128xi32>
    %add3A = arith.addi %mul3A_9, %iota3A_7 : vector<1x128x128xi32>
    %broadcast_in_dim3A_10 = vector.shape_cast %broadcast_in_dim3A : vector<136x1xf32> to vector<136x1x1xf32>
    %eq3A = vector.broadcast %broadcast_in_dim3A_10 : vector<136x1x1xf32> to vector<136x128x128xf32>
    %eq3A_11 = arith.cmpf oeq, %reshape3A, %eq3A : vector<136x128x128xf32>
    %jit3A = arith.constant 1073741824 : i32
    %broadcast_in_dim3A_12 = vector.shape_cast %add3A : vector<1x128x128xi32> to vector<1x128x128xi32>
    %broadcast_in_dim3A_13 = vector.broadcast %broadcast_in_dim3A_12 : vector<1x128x128xi32> to vector<136x128x128xi32>
    %broadcast_in_dim3A_14 = vector.broadcast %jit3A : i32 to vector<136x128x128xi32>
    %select_n3A = arith.select %eq3A_11, %broadcast_in_dim3A_13, %broadcast_in_dim3A_14 : vector<136x128x128xi1>, vector<136x128x128xi32>
    %reduce_min3A = arith.constant dense<2147483647> : vector<136x128xi32>
    %reduce_min3A_15 = vector.multi_reduction <minsi>, %select_n3A, %reduce_min3A [1] : vector<136x128x128xi32> to vector<136x128xi32>
    %reduce_min3A_16 = arith.constant dense<2147483647> : vector<136xi32>
    %reduce_min3A_17 = vector.multi_reduction <minsi>, %reduce_min3A_15, %reduce_min3A_16 [1] : vector<136x128xi32> to vector<136xi32>
    %broadcast_in_dim3A_18 = vector.shape_cast %reduce_min3A_17 : vector<136xi32> to vector<136x1xi32>
    %reshape3A_19 = vector.shape_cast %broadcast_in_dim3A : vector<136x1xf32> to vector<8x17x1xf32>
    %swap3A = arith.constant 0 : index
    %swap3A_20 = arith.constant 0 : index
    %swap3A_21 = arith.constant 0 : index
    %swap3A_22 = vector.load %arg2[%swap3A, %swap3A_20, %swap3A_21] : memref<8x17x1xf32, #tpu.memory_space<vmem>>, vector<8x17x1xf32>
    tpu.vector_store %arg2[%swap3A, %swap3A_20, %swap3A_21], %reshape3A_19 {strides = array<i32>} : memref<8x17x1xf32, #tpu.memory_space<vmem>>, vector<8x17x1xf32>,
    %reshape3A_23 = vector.shape_cast %broadcast_in_dim3A_18 : vector<136x1xi32> to vector<8x17x1xi32>
    %swap3A_24 = arith.constant 0 : index
    %swap3A_25 = arith.constant 0 : index
    %swap3A_26 = arith.constant 0 : index
    %swap3A_27 = vector.load %arg3[%swap3A_24, %swap3A_25, %swap3A_26] : memref<8x17x1xi32, #tpu.memory_space<vmem>>, vector<8x17x1xi32>
    tpu.vector_store %arg3[%swap3A_24, %swap3A_25, %swap3A_26], %reshape3A_23 {strides = array<i32>} : memref<8x17x1xi32, #tpu.memory_space<vmem>>, vector<8x17x1xi32>,
    return
  }
  func.func @transform_0(%arg0: i32) -> (i32, i32, i32, i32) {
    %c0_i32 = arith.constant 0 : i32
    %c0_i32_0 = arith.constant 0 : i32
    %c0_i32_1 = arith.constant 0 : i32
    %c0_i32_2 = arith.constant 0 : i32
    return %arg0, %c0_i32, %c0_i32_0, %c0_i32_1 : i32, i32, i32, i32
  }
  func.func @transform_1(%arg0: i32) -> (i32, i32, i32) {
    %c0_i32 = arith.constant 0 : i32
    %c0_i32_0 = arith.constant 0 : i32
    %c0_i32_1 = arith.constant 0 : i32
    return %arg0, %c0_i32, %c0_i32_0 : i32, i32, i32
  }
  func.func @transform_2(%arg0: i32) -> (i32, i32, i32) {
    %c0_i32 = arith.constant 0 : i32
    %c0_i32_0 = arith.constant 0 : i32
    %c0_i32_1 = arith.constant 0 : i32
    return %arg0, %c0_i32, %c0_i32_0 : i32, i32, i32
  }
}

</mosaic_0001>

<sc_bundles>
// kernel: kernel.4.cloned.1.call-start
scs
__scs_entry_jumppad:
0x0: {  	(pc) =	sbr.rel $0x88, $3  }
0x1: {  	(tag) =	ssettag $0x0;
	lr =	simm.s32 $0x1  }
0x2: {  	[smem:$0x3FA0] =	sst lr;
	_ =	strace $0xD0000000  }
0x3: {  	_ = 	snop  }
0x4: {  	_ = 	snop  }
0x5: {  	_ = 	snop  }
0x6: {  	_ = 	snop  }
0x7: {  	_ = 	snop  }
__scs_overlays_trampoline_lowered:
0x8: {  	[smem:$0x3FAF] =	sst s0  }
0x9: {  	[smem:$0x3FB0] =	sst s1  }
0xa: {  	[smem:$0x3FB1] =	sst s2  }
0xb: {  	[smem:$0x3FB2] =	sst s3  }
0xc: {  	[smem:$0x3FB3] =	sst s4  }
0xd: {  	[smem:$0x3FB4] =	sst s5  }
0xe: {  	[smem:$0x3FB5] =	sst s6  }
0xf: {  	[smem:$0x3FB6] =	sst s7  }
0x10: {  	[smem:$0x3FB7] =	sst s8  }
0x11: {  	[smem:$0x3FB8] =	sst s9;
	s0 =	simm.s32 @!p0 $0x0  }
0x12: {  	s1 =	sld [smem:$0x3F9E];
	s0 =	simm.s32 @p0 $0x1  }
0x13: {  	[smem:$0x3FB9] =	sst s0;
	s0 =	simm.s32 @!p1 $0x0  }
0x14: {  	s2 =	sld [smem:$0x3F9D];
	s0 =	simm.s32 @p1 $0x1  }
0x15: {  	[smem:$0x3FBA] =	sst s0;
	s0 =	simm.s32 @!p2 $0x0  }
0x16: {  	s3 =	sld [smem:$0x3FDB];
	s0 =	simm.s32 @p2 $0x1  }
0x17: {  	s4 =	simm.s32 $0x1BF5;
	[smem:$0x3FBC] =	sst s0  }
0x18: {  	s0 =	sld [smem:$0x3F9F];
	_ =	swait.ge [sflag:s4], $0x0  }
0x19: {  	s7 =	sld [smem:$0x3FA0]  }
0x1a: {  	s8 =	sadd.s32 $0xFFFFE003, lr  }
0x1b: {  	s9 =	sadd.s32 $0xFFFFFEF7, lr;
	s5 =	simm.s32 $0xFFFFFFFF;
	p2 =	slt.u32 s8, $0xFFFFF086  }
0x1c: {  	p1 =	slt.u32 s9, $0xF7A;
	s5 =	simm.s32 @!p2 $0x0  }
0x1d: {  	s5 =	simm.s32 @p1 $0x1;
	p0 =	seq.s32 s7, s2  }
0x1e: {  	s7 =	smul.u32 @!p0 $0xF7A, s2;
	p2 =	seq.s32 @!p0 s5, $0x0  }
0x1f: {  	s9 =	smul.u32 $0xF7A, s1;
	s8 =	simm.s32 @!p0 $0x1BF5;
	p2 =	por !p2, p0  }
0x20: {  	[sflag:s8] =	ssyncset.s32 @!p0 $0xFFFFF086;
	s6 =	sadd.s32 @!p0 s3, s7;
	s7 =	simm.s32 @!p0 $0x108  }
0x21: {  	s3 =	sadd.s32 s3, s9;
	s6 =	sadd.s32 @!p0 $0x88, s6;
	s7 =	simm.s32 @p2 $0x1082  }
0x22: {  	[simem:s7], [sflag:s8] =	dma.local @!p0 [hbm:s6], $0xF7A  }
0x23: {  	s9 =	sor.u32 $0xD0000000, s2;
	s6 =	simm.s32 $0x108;
	_ =	swait.ge @!p0 [sflag:s8], $0x0  }
0x24: {  	s3 =	sadd.s32 $0x88, s3;
	s6 =	simm.s32 @!p1 $0x1082;
	[sflag:s4] =	ssyncset.s32 $0xFFFFF086  }
0x25: {  	[simem:s6], [sflag:s4] =	dma.local [hbm:s3], $0xF7A  }
0x26: {  	[smem:$0x3FA0] =	sst s1;
	(tag) =	ssettag s2;
	_ =	strace s9  }
0x27: {  	s1 =	sld [smem:$0x3FB0]  }
0x28: {  	s2 =	sld [smem:$0x3FB1]  }
0x29: {  	s4 =	sld [smem:$0x3FB3]  }
0x2a: {  	p0 =	seq.s32 s5, $0x0;
	s5 =	sld [smem:$0x3FB4]  }
0x2b: {  	s6 =	sld [smem:$0x3FB5]  }
0x2c: {  	s7 =	sld [smem:$0x3FB6]  }
0x2d: {  	s3 =	simm.s32 $0x108;
	s8 =	sld [smem:$0x3FB7]  }
0x2e: {  	s3 =	simm.s32 @!p0 $0x1082;
	s9 =	sld [smem:$0x3FB8]  }
0x2f: {  	lr =	sadd.s32 s0, s3;
	s0 =	sld [smem:$0x3FAF]  }
0x30: {  	s3 =	sld [smem:$0x3FB2]  }
0x31: {  	[smem:$0x3FBB] =	sst s10  }
0x32: {  	s10 =	sld [smem:$0x3FB9];
	_ =	sdelay $0x3  }
0x33: {  	p0 =	seq.s32 s10, $0x1;
	s10 =	sld [smem:$0x3FBB];
	_ =	sdelay $0x3  }
0x34: {  	[smem:$0x3FBB] =	sst s10  }
0x35: {  	s10 =	sld [smem:$0x3FBA];
	_ =	sdelay $0x3  }
0x36: {  	p1 =	seq.s32 s10, $0x1;
	s10 =	sld [smem:$0x3FBB];
	_ =	sdelay $0x3  }
0x37: {  	[smem:$0x3FBB] =	sst s10  }
0x38: {  	s10 =	sld [smem:$0x3FBC]  }
0x39: {  	_ = 	snop;
	(pc) =	sbr.ind lr, $3  }
0x3a: {  	_ = 	snop  }
0x3b: {  	_ = 	snop  }
0x3c: {  	p2 =	seq.s32 s10, $0x1;
	s10 =	sld [smem:$0x3FBB]  }
0x3d: {  	_ =	shalt  }
0x3e: {  	_ =	shalt  }
0x3f: {  	_ =	shalt  }
0x40: {  	_ =	shalt  }
0x41: {  	_ =	shalt  }
0x42: {  	_ =	shalt  }
0x43: {  	_ =	shalt  }
0x44: {  	_ =	shalt  }
0x45: {  	_ =	shalt  }
0x46: {  	_ =	shalt  }
0x47: {  	_ =	shalt  }
0x48: {  	_ =	shalt  }
0x49: {  	_ =	shalt  }
0x4a: {  	_ =	shalt  }
0x4b: {  	_ =	shalt  }
0x4c: {  	_ =	shalt  }
0x4d: {  	_ =	shalt  }
0x4e: {  	_ =	shalt  }
0x4f: {  	_ =	shalt  }
0x50: {  	_ =	shalt  }
0x51: {  	_ =	shalt  }
0x52: {  	_ =	shalt  }
0x53: {  	_ =	shalt  }
0x54: {  	_ =	shalt  }
0x55: {  	_ =	shalt  }
0x56: {  	_ =	shalt  }
0x57: {  	_ =	shalt  }
0x58: {  	_ =	shalt  }
0x59: {  	_ =	shalt  }
0x5a: {  	_ =	shalt  }
0x5b: {  	_ =	shalt  }
0x5c: {  	_ =	shalt  }
0x5d: {  	_ =	shalt  }
0x5e: {  	_ =	shalt  }
0x5f: {  	_ =	shalt  }
0x60: {  	_ =	shalt  }
0x61: {  	_ =	shalt  }
0x62: {  	_ =	shalt  }
0x63: {  	_ =	shalt  }
0x64: {  	_ =	shalt  }
0x65: {  	_ =	shalt  }
0x66: {  	_ =	shalt  }
0x67: {  	_ =	shalt  }
0x68: {  	_ =	shalt  }
0x69: {  	_ =	shalt  }
0x6a: {  	_ =	shalt  }
0x6b: {  	_ =	shalt  }
0x6c: {  	_ =	shalt  }
0x6d: {  	_ =	shalt  }
0x6e: {  	_ =	shalt  }
0x6f: {  	_ =	shalt  }
0x70: {  	_ =	shalt  }
0x71: {  	_ =	shalt  }
0x72: {  	_ =	shalt  }
0x73: {  	_ =	shalt  }
0x74: {  	_ =	shalt  }
0x75: {  	_ =	shalt  }
0x76: {  	_ =	shalt  }
0x77: {  	_ =	shalt  }
0x78: {  	_ =	shalt  }
0x79: {  	_ =	shalt  }
0x7a: {  	_ =	shalt  }
0x7b: {  	_ =	shalt  }
0x7c: {  	_ =	shalt  }
0x7d: {  	_ =	shalt  }
0x7e: {  	_ =	shalt  }
0x7f: {  	_ =	shalt  }
0x80: {  	_ =	shalt  }
0x81: {  	_ =	shalt  }
0x82: {  	_ =	shalt  }
0x83: {  	_ =	shalt  }
0x84: {  	_ =	shalt  }
0x85: {  	_ =	shalt  }
0x86: {  	_ =	shalt  }
0x87: {  	_ =	shalt  }
.Lfunc_end0:
.L_simem_size_0:
called_computation_lowered:
.L_overlay_start_0:
0x88: {  	s2 =	sld [smem:$0x3FD9]  }
0x89: {  	s3 =	sld [smem:$0x3FFE];
	_ =	sdelay $0x1  }
0x8a: {  	s1 =	srdreg.scid  }
0x8b: {  	s0 =	sand.u32 $0x1, s1  }
0x8c: {  	s17 =	sshll.u32 s0, $0xA;
	s2 =	sadd.s32 s3, s2  }
0x8d: {  	s2 =	sadd.s32 s2, s17  }
0x8e: {  	[smem:$0x3FC7] =	sst s2  }
0x8f: {  	_ = 	snop  }
0x90: {  	s2 =	sld [smem:$0x3FC9]  }
0x91: {  	s18 =	sld [smem:$0x3FD0];
	(tm) =	ssettm $0x1  }
0x92: {  	s4 =	sld [smem:$0x3FFB];
	_ =	sdelay $0x3  }
0x93: {  	_ =	strace s4  }
0x94: {  	s4 =	sld [smem:$0x3FFC];
	_ =	sdelay $0x3  }
0x95: {  	_ =	strace s4  }
0x96: {  	s4 =	sld [smem:$0x3FFD];
	_ =	sdelay $0x3  }
0x97: {  	_ =	strace s4  }
0x98: {  	_ =	strace $0x8FFFFFFF  }
0x99: {  	s19 =	sld [smem:$0x3FDB];
	_ =	sdelay $0x1  }
0x9a: {  	s5 =	simm.s32 $_scs_section_size  }
0x9b: {  	s6 =	simm.s32 $_size__tile_overlayer_lowered;
	s7 =	simm.s32 $_tile_overlayer_lowered  }
0x9c: {  	s22 =	simm.s32 $0x1BFF;
	s21 =	sshll.u32 s7, $0x1;
	s4 =	sadd.s32 s5, s19  }
0x9d: {  	s8 =	simm.s32 $0x0;
	s20 =	sshll.u32 s6, $0x1;
	s6 =	sadd.s32 s21, s4  }
0x9e: {  	[timem:s8], [sflag:s22] =	dma.local [hbm:s6], s20  }
0x9f: {  	_ =	swait.ge [sflag:s22], s20  }
0xa0: {  	s5 =	ssub.s32 $0x0, s20;
	[sflag:s22] =	ssyncset.done $0x0  }
0xa1: {  	[sflag:s22] =	ssyncadd.s32 s5;
	_ =	sdelay $0x1  }
0xa2: {  	s23 =	simm.s32 $0x1B8B  }
0xa3: {  	_ =	swait.ge [sflag:s23], $0x1  }
0xa4: {  	[sflag:s23] =	ssyncset.done $0x0  }
0xa5: {  	s25 =	simm.s32 $0x1B8E;
	s24 =	sld [smem:$0x3FFE];
	[sflag:s23] =	ssyncadd.s32 $0xFFFFFFFF  }
0xa6: {  	s26 =	simm.s32 $execute0_lowered;
	[smem:$0x3FD2] =	sst s25  }
0xa7: {  	s6 =	sshll.u32 s26, $0x1;
	_ =	strace $0x80000046;
	[dreg:$0x1] =	wrdreg $0xFFFFFFFF  }
0xa8: {  	s28 =	simm.s32 $_size_execute0_lowered;
	s4 =	sadd.s32 s4, s6;
	[dreg:$0x0] =	wrdreg $0x0  }
0xa9: {  	s6 =	sshll.u32 s28, $0x1;
	[dreg:$0x2] =	wrdreg s4  }
0xaa: {  	[dreg:$0x3] =	wrdreg s6  }
0xab: {  	[dreg:$0x4] =	wrdreg $0xC0  }
0xac: {  	_ =	task [dreg:s8], $0x5FFFF  }
0xad: {  	[dreg:$0x1] =	wrdreg $0xFFFFFFFF  }
0xae: {  	[dreg:$0x0] =	wrdreg $0x60  }
0xaf: {  	[dreg:$0x2] =	wrdreg s18  }
0xb0: {  	[dreg:$0x3] =	wrdreg s24  }
0xb1: {  	[dreg:$0x4] =	wrdreg s2  }
0xb2: {  	[dreg:$0x5] =	wrdreg $0x9  }
0xb3: {  	_ =	task.clear_ibuf [dreg:s8], $0x6FFFF;
	_ =	strace $0x90000046  }
0xb4: {  	s29 =	simm.s32 $0x9;
	_ =	strace $0x80000048  }
0xb5: {  	_ =	swait.ge [sflag:s29], $0x1  }
0xb6: {  	[sflag:s29] =	ssyncadd.s32 $0xFFFFFFFF  }
0xb7: {  	_ =	strace $0x90000048  }
0xb8: {  	_ =	sfence  }
0xb9: {  	s30 =	sld [smem:$0x0];
	_ =	sdelay $0x2  }
0xba: {  	s31 =	sshll.u32 s1, $0xD;
	s1 =	sshrl.u32 s1, $0x2  }
0xbb: {  	s3 =	sand.u32 $0x4000, s31;
	s1 =	sadd.s32 s1, s30  }
0xbc: {  	s0 =	sor.u32 s3, s0;
	s1 =	sshll.u32 s1, $0x11  }
0xbd: {  	s0 =	sor.u32 s1, s0  }
0xbe: {  	s0 =	sadd.s32 $0x8F2B, s0  }
0xbf: {  	[sflag:s0] =	ssyncadd.remote.s32 $0x1  }
0xc0: {  	_ =	sfence.sel $0xFFFF  }
0xc1: {  	[dreg:$0x0] =	wrdreg $0xFFFFFFFF;
	(pc) =	sbr.abs _section_cstart, $3  }
0xc2: {  	[dreg:$0x1] =	wrdreg $0xFFFFFFFF  }
0xc3: {  	_ =	task.clear_ibuf [dreg:s8], $0x2FFFF;
	_ =	strace $0x9FFFFFFF  }
0xc4: {  	(tm) =	ssettm $0x7FFFFFFF  }
0xc5: {  	_ =	shalt  }
tec
execute0_lowered:
.L_overlay_start_1:
0x0: {  	(tag) =	ssettag $0x1  }
0x1: {  	s4 =	rddreg [dreg:$0x0]  }
0x2: {  	s1 =	srdreg.scid;
	s6 =	rddreg [dreg:$0x1]  }
0x3: {  	s0 =	stileid.u32;
	s2 =	rddreg [dreg:$0x2]  }
0x4: {  	s3 =	simm.s32 $0x0;
	s5 =	sand.u32 $0x1, s1;
	s30 =	sshll.u32 s0, $0x1  }
0x5: {  	s12 =	simm.s32 $0x100;
	s13 =	simm.s32 $0x300;
	s1 =	sor.u32 s5, s30  }
0x6: {  	s15 =	simm.s32 $0x380;
	s16 =	simm.s32 $0x200;
	s7 =	smul.u32 $0x50, s1  }
0x7: {  	s17 =	simm.s32 $0x400;
	s18 =	simm.s32 $0x280;
	s19 =	simm.s32 $0x480  }
0x8: {  	v0 =	vlaneseq.u32;
	s20 =	simm.s32 $0x1;
	s21 =	simm.s32 $0x2;
	s7 =	smin.u32 s7, $0x830  }
0x9: {  	s22 =	simm.s32 $0x3;
	v11 =	vimm.f32 $1.000000000e+00;
	v10 =	vimm.s32 $0x1;
	s23 =	simm.s32 $0x4;
	s24 =	simm.s32 $0x500;
	v1 =	vmov s7  }
0xa: {  	v8 =	vmul.u32 $0x4000, v0;
	v11 =	vand.u32 $0x7FFFFFFF, v11;
	s10 =	sadd.s32 $0x10, s7;
	s31 =	sadd.s32 $0x20, s7;
	s11 =	sadd.s32 $0x30, s7;
	v0 =	vshll.u32 v1, $0xE  }
0xb: {  	[smem:$0x7FF] =	sst s3;
	s5 =	ssub.s32 $0x2, s5;
	s14 =	sadd.s32 $0x40, s7;
	v1 =	vmov s10;
	v4 =	vmov s31;
	v5 =	vmov s11  }
0xc: {  	s25 =	simm.s32 $0x580;
	s1 =	rddreg [dreg:$0x3];
	s8 =	sshrl.u32 s5, $0x1;
	v7 =	vmov s14;
	v0 =	vor.u32 v8, v0;
	v2 =	vshll.u32 v1, $0xE  }
0xd: {  	_ =	strace $0x80000047;
	s8 =	ssub.s32 s5, s8;
	s9 =	sshrl.u32 s7, $0x3;
	v4 =	vshll.u32 v4, $0xE;
	v6 =	vshll.u32 v5, $0xE;
	v9 =	vshll.u32 v7, $0xE  }
0xe: {  	s8 =	smax.u32 s8, $0x1;
	s4 =	sadd.s32 s4, s9;
	s5 =	sadd.s32 s6, s9;
	v1 =	vor.u32 $0x80, v0;
	v2 =	vor.u32 v8, v2;
	v4 =	vor.u32 v8, v4  }
0xf: {  	s9 =	simm.s32 $0x5;
	s10 =	simm.s32 $0x80;
	s11 =	simm.s32 $0x50;
	v6 =	vor.u32 v8, v6;
	v8 =	vor.u32 v8, v9;
	v3 =	vor.u32 $0x80, v2  }
0x10: {  	s14 =	simm.s32 $0x180;
	s6 =	sadd.s32 $0x200, s5;
	s7 =	sadd.s32 $0x400, s5;
	v5 =	vor.u32 $0x80, v4;
	v7 =	vor.u32 $0x80, v6;
	v9 =	vor.u32 $0x80, v8  }
.LBB2_1:
0x11: {  	[tilespmem:s3], [sflag:$0x5] =	stream.linear.gather [hbm4b:s4+s3], $0x50, $0x38;
	[tilespmem:$0x600] =	vst v63  }
0x12: {  	_ =	swait.ge [sflag:s9], $0x50  }
0x13: {  	[sflag:s9] =	ssyncset.done $0x0  }
0x14: {  	[sflag:s9] =	ssyncadd.s32 $0xFFFFFFB0  }
0x15: {  	[tilespmem:s10], [sflag:$0x5] =	stream.linear.gather [hbm4b:s5+s3], $0x50, $0x38;
	[tilespmem:$0x600] =	vst v63  }
0x16: {  	_ =	swait.ge [sflag:s9], $0x50  }
0x17: {  	[sflag:s9] =	ssyncset.done $0x0  }
0x18: {  	[sflag:s9] =	ssyncadd.s32 $0xFFFFFFB0  }
0x19: {  	v12 =	vld [tilespmem:$0x0];
	_ =	sdelay $0x1  }
0x1a: {  	v16 =	vld [tilespmem:$0x10]  }
0x1b: {  	v20 =	vld [tilespmem:$0x20]  }
0x1c: {  	v25 =	vld [tilespmem:$0x30]  }
0x1d: {  	v13 =	vand.u32 $0x7F, v12  }
0x1e: {  	v54 =	vld [tilespmem:$0x40];
	v14 =	vand.u32 $0xFFFFFF80, v12;
	v17 =	vshrl.u32 v12, $0x7;
	v12 =	vor.u32 $0xFFFFFF80, v12  }
0x1f: {  	v35 =	vand.u32 $0x7F, v16;
	v36 =	vand.u32 $0xFFFFFF80, v16;
	v22 =	vshrl.u32 v16, $0x7  }
0x20: {  	v16 =	vor.u32 $0xFFFFFF80, v16;
	v40 =	vand.u32 $0x7F, v20;
	v23 =	vand.u32 $0xFFFFFF80, v20  }
0x21: {  	v44 =	vshrl.u32 v20, $0x7;
	v20 =	vor.u32 $0xFFFFFF80, v20;
	v50 =	vand.u32 $0x7F, v25  }
0x22: {  	v51 =	vand.u32 $0xFFFFFF80, v25;
	v55 =	vshrl.u32 v25, $0x7;
	v59 =	vor.u32 $0xFFFFFF80, v25  }
0x23: {  	v29 =	vshrl.u32 v54, $0x7;
	v15 =	vmax.u32 v13, $0x1;
	v14 =	vadd.s32 v0, v14  }
0x24: {  	v18 =	vmin.u32 v13, $0x7E;
	v19 =	vmax.u32 v17, $0x1;
	v12 =	vadd.s32 v12, v0  }
0x25: {  	v17 =	vmin.u32 v17, $0x7E;
	v13 =	vor.u32 v13, v1;
	v37 =	vmax.u32 v35, $0x1  }
0x26: {  	v21 =	vmin.u32 v35, $0x7E;
	v38 =	vmax.u32 v22, $0x1;
	v16 =	vadd.s32 v16, v2  }
0x27: {  	v22 =	vmin.u32 v22, $0x7E;
	v24 =	vmax.u32 v40, $0x1;
	v42 =	vadd.s32 v4, v23  }
0x28: {  	v45 =	vmin.u32 v40, $0x7E;
	v47 =	vmax.u32 v44, $0x1;
	v49 =	vadd.s32 v20, v4  }
0x29: {  	v52 =	vmax.u32 v50, $0x1;
	v53 =	vor.u32 v40, v5;
	v15 =	vsub.s32 v15, v10  }
0x2a: {  	v57 =	vmin.u32 v50, $0x7E;
	v34 =	vshll.u32 v19, $0x7;
	v15 =	vor.u32 v15, v14  }
0x2b: {  	v58 =	vmax.u32 v55, $0x1;
	v17 =	vshll.u32 v17, $0x7;
	v12 =	vadd.s32 v34, v12;
	[tilespmem:$0x100] =	vst v15  }
0x2c: {  	v62 =	vadd.s32 v59, v6;
	v61 =	vshll.u32 v58, $0x7;
	v13 =	vadd.s32 v17, v13;
	[tilespmem:$0x200] =	vst v12  }
0x2d: {  	v23 =	vand.u32 $0x7F, v54;
	v14 =	vadd.s32 v14, v18;
	v63 =	vadd.s32 v61, v62;
	[tilespmem:$0x280] =	vst v13  }
0x2e: {  	v19 =	vsub.s32 v37, v10;
	v17 =	vadd.s32 v2, v36;
	v14 =	vadd.s32 $0x1, v14;
	[tilespmem:$0x230] =	vst v63  }
0x2f: {  	v39 =	vshll.u32 v22, $0x7;
	v18 =	vor.u32 v35, v3;
	v19 =	vor.u32 v19, v17;
	[tilespmem:$0x180] =	vst v14  }
0x30: {  	v43 =	vsub.s32 v24, v10;
	v46 =	vadd.s32 v42, v45;
	v41 =	vadd.s32 v39, v18;
	[tilespmem:$0x110] =	vst v19  }
0x31: {  	v48 =	vshll.u32 v47, $0x7;
	v24 =	vand.u32 $0xFFFFFF80, v54;
	v12 =	vadd.s32 $0x1, v46;
	[tilespmem:$0x290] =	vst v41  }
0x32: {  	v25 =	vmax.u32 v23, $0x1;
	v17 =	vadd.s32 v17, v21;
	v13 =	vadd.s32 v48, v49;
	[tilespmem:$0x1A0] =	vst v12  }
0x33: {  	v26 =	vadd.s32 v8, v24;
	v21 =	vshll.u32 v38, $0x7;
	v17 =	vadd.s32 $0x1, v17;
	[tilespmem:$0x220] =	vst v13  }
0x34: {  	v27 =	vsub.s32 v25, v10;
	v15 =	vmin.u32 v55, $0x7E;
	v16 =	vadd.s32 v21, v16;
	[tilespmem:$0x190] =	vst v17  }
0x35: {  	v21 =	vor.u32 v43, v42;
	v14 =	vmin.u32 v44, $0x7E;
	v19 =	vsub.s32 v52, v10;
	[tilespmem:$0x210] =	vst v16  }
0x36: {  	v14 =	vshll.u32 v14, $0x7;
	[tilespmem:$0x120] =	vst v21;
	v21 =	vshll.u32 v15, $0x7;
	v15 =	vor.u32 v27, v26  }
0x37: {  	v13 =	vmin.u32 v29, $0x7E;
	v17 =	vadd.s32 v6, v51;
	v14 =	vadd.s32 v14, v53;
	[tilespmem:$0x140] =	vst v15  }
0x38: {  	v34 =	vor.u32 v23, v9;
	v13 =	vshll.u32 v13, $0x7;
	v56 =	vor.u32 v19, v17;
	[tilespmem:$0x2A0] =	vst v14  }
0x39: {  	v31 =	vor.u32 $0xFFFFFF80, v54;
	v60 =	vadd.s32 v17, v57;
	v35 =	vadd.s32 v13, v34;
	[tilespmem:$0x130] =	vst v56  }
0x3a: {  	v22 =	vor.u32 v50, v7;
	v28 =	vmin.u32 v23, $0x7E;
	v12 =	vadd.s32 $0x1, v60;
	[tilespmem:$0x2C0] =	vst v35  }
0x3b: {  	v30 =	vmax.u32 v29, $0x1;
	v14 =	vadd.s32 v21, v22;
	[tilespmem:$0x1B0] =	vst v12;
	v12 =	vadd.s32 v26, v28  }
0x3c: {  	v32 =	vadd.s32 v31, v8;
	[tilespmem:$0x2B0] =	vst v14;
	v14 =	vshll.u32 v30, $0x7;
	v12 =	vadd.s32 $0x1, v12  }
0x3d: {  	v33 =	vadd.s32 v14, v32;
	[tilespmem:$0x1C0] =	vst v12  }
0x3e: {  	[tilespmem:$0x240] =	vst v33  }
0x3f: {  	[tilespmem:s13], [sflag:$0x1] =	stream.indirect.gather [hbm4b:s2+s11], $0x1, s12, s11, $0xb8;
	[tilespmem:$0x600] =	vst v63  }
0x40: {  	_ = 	snop  }
0x41: {  	[tilespmem:s15], [sflag:$0x2] =	stream.indirect.gather [hbm4b:s2+s11], $0x1, s14, s11, $0xb8;
	[tilespmem:$0x600] =	vst v63  }
0x42: {  	_ = 	snop  }
0x43: {  	[tilespmem:s17], [sflag:$0x3] =	stream.indirect.gather [hbm4b:s2+s11], $0x1, s16, s11, $0xb8;
	[tilespmem:$0x600] =	vst v63  }
0x44: {  	_ = 	snop  }
0x45: {  	[tilespmem:s19], [sflag:$0x4] =	stream.indirect.gather [hbm4b:s2+s11], $0x1, s18, s11, $0xb8;
	[tilespmem:$0x600] =	vst v63  }
0x46: {  	_ =	swait.ge [sflag:s20], $0x50  }
0x47: {  	[sflag:s20] =	ssyncset.done $0x0  }
0x48: {  	[sflag:s20] =	ssyncadd.s32 $0xFFFFFFB0  }
0x49: {  	_ =	swait.ge [sflag:s21], $0x50  }
0x4a: {  	[sflag:s21] =	ssyncset.done $0x0  }
0x4b: {  	[sflag:s21] =	ssyncadd.s32 $0xFFFFFFB0  }
0x4c: {  	_ =	swait.ge [sflag:s22], $0x50  }
0x4d: {  	[sflag:s22] =	ssyncset.done $0x0  }
0x4e: {  	[sflag:s22] =	ssyncadd.s32 $0xFFFFFFB0  }
0x4f: {  	_ =	swait.ge [sflag:s23], $0x50  }
0x50: {  	[sflag:s23] =	ssyncset.done $0x0  }
0x51: {  	[sflag:s23] =	ssyncadd.s32 $0xFFFFFFB0  }
0x52: {  	v36 =	vld [tilespmem:$0x300]  }
0x53: {  	v37 =	vld [tilespmem:$0x0]  }
0x54: {  	v38 =	vld [tilespmem:$0x380]  }
0x55: {  	v39 =	vld [tilespmem:$0x400]  }
0x56: {  	v40 =	vld [tilespmem:$0x80]  }
0x57: {  	v41 =	vld [tilespmem:$0x480]  }
0x58: {  	v46 =	vld [tilespmem:$0x310]  }
0x59: {  	v48 =	vld [tilespmem:$0x390]  }
0x5a: {  	v49 =	vld [tilespmem:$0x10]  }
0x5b: {  	v51 =	vld [tilespmem:$0x90]  }
0x5c: {  	v58 =	vld [tilespmem:$0x320]  }
0x5d: {  	v60 =	vld [tilespmem:$0x20]  }
0x5e: {  	v61 =	vld [tilespmem:$0x3A0]  }
0x5f: {  	v33 =	vld [tilespmem:$0x30]  }
0x60: {  	v42 =	vshrl.u32 v37, $0x7;
	v43 =	vand.u32 $0x7F, v37;
	v12 =	vsub.f32 v38, v36  }
0x61: {  	vm3 =	vgt.f32 v40, $0.0e+00;
	vm8 =	vlt.u32 v37, $0x3F80;
	v45 =	vsub.f32 v41, v39  }
0x62: {  	v53 =	vand.u32 $0x7F, v49;
	v13 =	vsub.f32 v48, v46;
	v54 =	vshrl.u32 v49, $0x7  }
0x63: {  	vm15 =	vgt.f32 v51, $0.0e+00;
	v28 =	vshrl.u32 v60, $0x7;
	v29 =	vand.u32 $0x7F, v60  }
0x64: {  	v32 =	vsub.f32 v61, v58;
	v40 =	vand.u32 $0x7F, v33;
	v26 =	vshrl.u32 v33, $0x7  }
0x65: {  	vm0 =	vne.s32 v43, $0x0;
	vm1 =	vne.s32 v43, $0x7F;
	vm6 =	vne.s32 v42, $0x0  }
0x66: {  	v47 =	vcvt.s32.f32 v43;
	v18 =	vcvt.s32.f32 v42;
	vm11 =	vne.s32 v53, $0x0  }
0x67: {  	vm12 =	vne.s32 v53, $0x7F;
	vm5 =	vne.s32 v54, $0x0;
	v56 =	vcvt.s32.f32 v53  }
0x68: {  	v15 =	vcvt.s32.f32 v54;
	v31 =	vcvt.s32.f32 v29;
	vm0 =	vmand vm0, vm1  }
0x69: {  	vm7 =	vlt.f32 v12, $0.0e+00;
	vm2 =	vgt.f32 v12, $0.0e+00;
	v14 =	vand.u32 $0x80000000, v12  }
0x6a: {  	v50 =	vld [tilespmem:$0x410];
	v17 =	vand.u32 $0x80000000, v45;
	vm9 =	vlt.f32 v45, $0.0e+00;
	vm10 =	vgt.f32 v45, $0.0e+00  }
0x6b: {  	v52 =	vld [tilespmem:$0x490];
	vm13 =	vlt.f32 v13, $0.0e+00;
	vm14 =	vgt.f32 v13, $0.0e+00;
	v55 =	vand.u32 $0x80000000, v13  }
0x6c: {  	v34 =	vld [tilespmem:$0x330];
	v36 =	vand.u32 $0x80000000, v32;
	vm0 =	vmand vm6, vm0;
	vm1 =	vmor vm2, vm7  }
0x6d: {  	v39 =	vld [tilespmem:$0x3B0];
	v44 =	vor.u32 v14, v11;
	v17 =	vor.u32 v17, v11;
	v16 =	vnsel vm3, $0x0, v47  }
0x6e: {  	v51 =	vld [tilespmem:$0x40];
	v18 =	vnsel vm3, $0x0, v18;
	v20 =	vor.u32 v55, v11;
	v15 =	vnsel vm15, $0x0, v15  }
0x6f: {  	v42 =	vld [tilespmem:$0x340];
	v22 =	vor.u32 v36, v11;
	vm0 =	vmand vm8, vm0;
	v12 =	vsel vm1, v44, v12  }
0x70: {  	v43 =	vld [tilespmem:$0x3C0];
	vm1 =	vmor vm10, vm9;
	vm8 =	vlt.u32 v49, $0x3F80;
	vm9 =	vne.s32 v29, $0x0  }
0x71: {  	v62 =	vld [tilespmem:$0x420];
	vm10 =	vne.s32 v29, $0x7F;
	v12 =	vmul.f32 $2.500000000e-01, v12;
	vm0 =	vmand vm3, vm0  }
0x72: {  	v48 =	vld [tilespmem:$0x4C0];
	v14 =	vsel vm1, v17, v45;
	vm1 =	vmor vm14, vm13;
	v17 =	vnsel vm15, $0x0, v56  }
0x73: {  	v47 =	vld [tilespmem:$0x440];
	vm13 =	vlt.f32 v32, $0.0e+00;
	vm14 =	vgt.f32 v32, $0.0e+00;
	v58 =	vshrl.u32 v51, $0x7  }
0x74: {  	v63 =	vld [tilespmem:$0x4A0];
	v14 =	vmul.f32 $2.500000000e-01, v14;
	v13 =	vsel vm1, v20, v13;
	v20 =	vsub.f32 v39, v34  }
0x75: {  	v24 =	vsub.f32 v43, v42;
	v12 =	vnsel vm0, $0x0, v12;
	v13 =	vmul.f32 $2.500000000e-01, v13  }
0x76: {  	v12 =	vadd.f32 v12, v16;
	v14 =	vnsel vm0, $0x0, v14;
	vm0 =	vmand vm11, vm12  }
0x77: {  	v16 =	vsub.f32 v52, v50;
	vm11 =	vne.s32 v28, $0x0;
	vm12 =	vlt.u32 v60, $0x3F80  }
0x78: {  	v46 =	vand.u32 $0x80000000, v20;
	v52 =	vand.u32 $0x80000000, v24;
	v25 =	vsub.f32 v48, v47  }
0x79: {  	v30 =	vld [tilespmem:$0xA0];
	vm0 =	vmand vm5, vm0;
	v14 =	vadd.f32 v14, v18;
	v18 =	vsub.f32 v63, v62  }
0x7a: {  	v57 =	vand.u32 $0x80000000, v16;
	vm6 =	vlt.f32 v16, $0.0e+00;
	vm7 =	vgt.f32 v16, $0.0e+00  }
0x7b: {  	vm0 =	vmand vm8, vm0;
	vm8 =	vne.s32 v40, $0x0;
	v55 =	vand.u32 $0x80000000, v25  }
0x7c: {  	[tilespmem:$0x500] =	vst v12;
	v12 =	vcvt.s32.f32 v58;
	vm1 =	vmor vm7, vm6;
	v59 =	vor.u32 v57, v11  }
0x7d: {  	vm0 =	vmand vm15, vm0;
	vm15 =	vlt.f32 v18, $0.0e+00;
	vm6 =	vgt.f32 v18, $0.0e+00  }
0x7e: {  	v27 =	vld [tilespmem:$0x4B0];
	vm7 =	vgt.f32 v30, $0.0e+00;
	v37 =	vand.u32 $0x80000000, v18;
	v56 =	vor.u32 v55, v11  }
0x7f: {  	v41 =	vld [tilespmem:$0x430];
	v57 =	vand.u32 $0x7F, v51;
	v16 =	vsel vm1, v59, v16;
	v13 =	vnsel vm0, $0x0, v13  }
0x80: {  	vm1 =	vmor vm14, vm13;
	vm2 =	vmor vm6, vm15;
	v35 =	vnsel vm7, $0x0, v31  }
0x81: {  	v23 =	vor.u32 v37, v11;
	vm14 =	vlt.f32 v20, $0.0e+00;
	vm15 =	vgt.f32 v20, $0.0e+00  }
0x82: {  	vm6 =	vlt.f32 v24, $0.0e+00;
	v60 =	vcvt.s32.f32 v57;
	v16 =	vmul.f32 $2.500000000e-01, v16  }
0x83: {  	v13 =	vadd.f32 v13, v17;
	v17 =	vsel vm1, v22, v32;
	v18 =	vsel vm2, v23, v18  }
0x84: {  	v38 =	vld [tilespmem:$0xB0];
	v22 =	vcvt.s32.f32 v40;
	v23 =	vsub.f32 v27, v41;
	v17 =	vmul.f32 $2.500000000e-01, v17  }
0x85: {  	v18 =	vmul.f32 $2.500000000e-01, v18;
	v16 =	vnsel vm0, $0x0, v16;
	vm0 =	vmand vm9, vm10  }
0x86: {  	vm9 =	vne.s32 v40, $0x7F;
	vm10 =	vne.s32 v26, $0x0;
	v26 =	vcvt.s32.f32 v26  }
0x87: {  	vm4 =	vlt.f32 v23, $0.0e+00;
	vm5 =	vgt.f32 v23, $0.0e+00;
	v50 =	vand.u32 $0x80000000, v23  }
0x88: {  	v15 =	vadd.f32 v16, v15;
	vm0 =	vmand vm11, vm0;
	v16 =	vcvt.s32.f32 v28  }
0x89: {  	v54 =	vld [tilespmem:$0xC0];
	vm1 =	vmand vm8, vm9;
	vm11 =	vgt.f32 v38, $0.0e+00;
	vm8 =	vlt.f32 v25, $0.0e+00  }
0x8a: {  	vm9 =	vgt.f32 v25, $0.0e+00;
	vm0 =	vmand vm12, vm0;
	vm1 =	vmand vm10, vm1  }
0x8b: {  	vm12 =	vlt.u32 v33, $0x3F80;
	v44 =	vnsel vm11, $0x0, v22;
	v45 =	vnsel vm11, $0x0, v26  }
0x8c: {  	v26 =	vor.u32 v46, v11;
	vm10 =	vne.s32 v57, $0x0;
	v16 =	vnsel vm7, $0x0, v16  }
0x8d: {  	vm0 =	vmand vm7, vm0;
	vm13 =	vmand vm12, vm1;
	vm1 =	vmor vm15, vm14  }
0x8e: {  	vm7 =	vgt.f32 v24, $0.0e+00;
	vm14 =	vgt.f32 v54, $0.0e+00;
	vm15 =	vlt.u32 v51, $0x3F80  }
0x8f: {  	v17 =	vnsel vm0, $0x0, v17;
	v18 =	vnsel vm0, $0x0, v18;
	vm0 =	vmand vm11, vm13  }
0x90: {  	v20 =	vsel vm1, v26, v20;
	vm1 =	vmor vm5, vm4;
	vm2 =	vmor vm7, vm6  }
0x91: {  	v26 =	vor.u32 v52, v11;
	v49 =	vmul.f32 $2.500000000e-01, v20;
	v20 =	vor.u32 v50, v11  }
0x92: {  	vm11 =	vne.s32 v57, $0x7F;
	vm13 =	vne.s32 v58, $0x0;
	v20 =	vsel vm1, v20, v23  }
0x93: {  	v17 =	vadd.f32 v17, v35;
	v16 =	vadd.f32 v18, v16;
	v20 =	vmul.f32 $2.500000000e-01, v20  }
0x94: {  	[tilespmem:$0x580] =	vst v14;
	v53 =	vsel vm2, v26, v24;
	vm12 =	vmand vm10, vm11;
	vm1 =	vmor vm9, vm8  }
0x95: {  	[tilespmem:$0x510] =	vst v13;
	v18 =	vnsel vm0, $0x0, v49;
	v59 =	vnsel vm0, $0x0, v20;
	vm0 =	vmand vm13, vm12  }
0x96: {  	[tilespmem:$0x590] =	vst v15;
	v61 =	vmul.f32 $2.500000000e-01, v53;
	v19 =	vsel vm1, v56, v25;
	vm0 =	vmand vm15, vm0  }
0x97: {  	[tilespmem:$0x520] =	vst v17;
	v18 =	vadd.f32 v18, v44;
	v62 =	vmul.f32 $2.500000000e-01, v19;
	vm0 =	vmand vm14, vm0  }
0x98: {  	v13 =	vnsel vm14, $0x0, v60;
	[tilespmem:$0x5A0] =	vst v16;
	v14 =	vadd.f32 v59, v45;
	v15 =	vnsel vm0, $0x0, v61  }
0x99: {  	v12 =	vnsel vm14, $0x0, v12;
	[tilespmem:$0x530] =	vst v18;
	v63 =	vnsel vm0, $0x0, v62;
	v13 =	vadd.f32 v15, v13  }
0x9a: {  	[tilespmem:$0x5B0] =	vst v14;
	v12 =	vadd.f32 v63, v12  }
0x9b: {  	[tilespmem:$0x540] =	vst v13  }
0x9c: {  	[tilespmem:$0x5C0] =	vst v12  }
0x9d: {  	[hbm4b:s6+s3] =	stream.linear.scatter [tilespmem:s24], [sflag:$0x5], $0x50, $0x38;
	[tilespmem:$0x600] =	vst v63  }
0x9e: {  	_ =	swait.ge [sflag:s9], $0x50  }
0x9f: {  	p0 =	sne.s32 s8, $0x1;
	[sflag:s9] =	ssyncset.done $0x0  }
.Ltmp0:
0xa0: {  	[sflag:s9] =	ssyncadd.s32 $0xFFFFFFB0;
	(pc) =	sbr.rel @p0 .LBB2_1-.Ltmp0, $4  }
0xa1: {  	[hbm4b:s7+s3] =	stream.linear.scatter [tilespmem:s25], [sflag:$0x5], $0x50, $0x38;
	[tilespmem:$0x600] =	vst v63  }
0xa2: {  	_ =	swait.ge [sflag:s9], $0x50  }
0xa3: {  	[sflag:s9] =	ssyncset.done $0x0  }
0xa4: {  	s8 =	sadd.s32 $0xFFFFFFFF, s8;
	[sflag:s9] =	ssyncadd.s32 $0xFFFFFFB0  }
0xa5: {  	_ =	sfence.sel $0x180000  }
0xa6: {  	[bflag:$0x0] =	sbarrier.arrive $0xFFFF  }
0xa7: {  	p0 =	sne.s32 s0, $0x0;
	_ =	strace $0x90000047  }
0xa8: {  	s0 =	sadd.s32 @!p0 $0x100000, s1;
	[bflag:$0x2] =	sbarrier.arrive $0xFFFF  }
0xa9: {  	[sflag:s0] =	ssyncadd.tile.s32 @!p0 $0x1;
	_ =	shalt  }
.Lfunc_end2:
_tile_overlayer_lowered:
.L_overlay_start_2:
0xaa: {  	(tag) =	ssettag $0x2  }
0xab: {  	s0 =	rddreg [dreg:$0x0];
	s2 =	stileid.u32  }
0xac: {  	s1 =	rddreg [dreg:$0x1];
	p0 =	sne.s32 s2, $0x0  }
0xad: {  	s3 =	rddreg [dreg:$0x2];
	[bflag:$0x3] =	sbarrier.arrive $0xFFFF;
	s2 =	simm.s32 @!p0 $0x1C05  }
0xae: {  	[timem:s3], [sflag:s2] =	dma.local @!p0 [hbm:s0], s1  }
0xaf: {  	s0 =	simm.s32 @!p0 $0x5  }
0xb0: {  	_ =	swait.ge @!p0 [sflag:s0], s1  }
0xb1: {  	s1 =	ssub.s32 @!p0 $0x0, s1;
	[sflag:s0] =	ssyncset.done @!p0 $0x0  }
0xb2: {  	[sflag:s0] =	ssyncadd.s32 @!p0 s1  }
0xb3: {  	[bflag:$0x3] =	sbarrier.arrive $0xFFFF  }
0xb4: {  	_ =	shalt  }

</sc_bundles>
